<compile_context>
chip_gen: v7x
topology: tpu7x:2x2x1
jax: 0.10.2.dev20260603
libtpu: 0.0.44.dev20260713+nightly
codegen_flags: <defaults>
</compile_context>

<pallas_src>
import dataclasses

import jax
import jax.numpy as jnp
from jax import lax
from jax.experimental import pallas as pl
from jax.experimental.pallas import tpu as pltpu
from jax.experimental.pallas import tpu_sc as plsc

B = 4
C = 96
K = 1024
H = 512
W = 512
N = H * W

CG = 8
CH = C // CG
P = 4096
T = N // P
ROWS = P // W

_mesh = plsc.VectorSubcoreMesh(core_axis_name="c", subcore_axis_name="s")

_cp = pltpu.CompilerParams()
if "needs_layout_passes" in pltpu.CompilerParams.__dataclass_fields__:
    _cp = dataclasses.replace(_cp, needs_layout_passes=False)


def _unpool_body(pooled_hbm, spx_hbm, out_hbm, table_v,
                 idx_v, out_t, sem_i, sem_o):
    wid = lax.axis_index("c") * 16 + lax.axis_index("s")
    b = wid // CG
    cg = wid % CG

    tbl_off = (b * C + cg * CH) * K
    pltpu.sync_copy(pooled_hbm.at[pl.ds(tbl_off, CH * K)], table_v)

    idx_base = b * N

    def start_idx(t, buf):
        pltpu.async_copy(spx_hbm.at[pl.ds(idx_base + t * P, P)],
                         idx_v.at[buf], sem_i[buf])

    def item(t, buf):
        pltpu.make_async_copy(spx_hbm.at[pl.ds(idx_base, P)],
                              idx_v.at[buf], sem_i[buf]).wait()

        @pl.when(t >= 2)
        def _():
            pltpu.make_async_copy(
                out_t.at[buf],
                out_hbm.at[b, pl.ds(cg * CH, CH), pl.ds(0, ROWS), :],
                sem_o[buf]).wait()

        @plsc.parallel_loop(0, P, 16, unroll=4)
        def _vec(i):
            j = i // W
            col = i - j * W
            idx = idx_v[buf, pl.ds(i, 16)]
            for c in range(CH):
                out_t[buf, c, j, pl.ds(col, 16)] = plsc.load_gather(
                    table_v.at[pl.ds(c * K, K)], [idx])

        pltpu.async_copy(
            out_t.at[buf],
            out_hbm.at[b, pl.ds(cg * CH, CH), pl.ds(t * ROWS, ROWS), :],
            sem_o[buf])

        @pl.when(t + 2 < T)
        def _():
            start_idx(t + 2, buf)

    start_idx(0, 0)
    start_idx(1, 1)

    @pl.loop(0, T, step=2)
    def _tile(t):
        item(t, 0)
        item(t + 1, 1)

    for buf in range(2):
        pltpu.make_async_copy(
            out_t.at[buf],
            out_hbm.at[b, pl.ds(cg * CH, CH), pl.ds(0, ROWS), :],
            sem_o[buf]).wait()


@jax.jit
def kernel(pooled, spx):
    spx_i = spx.reshape(B * N).astype(jnp.int32)
    pooled_f = pooled.reshape(B * C * K)

    k = pl.kernel(
        _unpool_body,
        out_type=jax.ShapeDtypeStruct((B, C, H, W), jnp.float32),
        mesh=_mesh,
        compiler_params=_cp,
        scratch_types=[
            pltpu.VMEM((CH * K,), jnp.float32),
            pltpu.VMEM((2, P), jnp.int32),
            pltpu.VMEM((2, CH, ROWS, W), jnp.float32),
            [pltpu.SemaphoreType.DMA] * 2,
            [pltpu.SemaphoreType.DMA] * 2,
        ],
    )
    return k(pooled_f, spx_i)

# --- scband reference (transcript-rebuilt; emitter-appended) ---
"""Pipeline reference for scband-sup-pix-unpool-34505767256232 (READ-ONLY COPY).

The authoritative reference and input builder live on the scoring server;
editing this copy changes nothing except your own understanding.
"""

import jax, jax.numpy as jnp
import numpy as np

def setup_inputs(seed: int = 0) -> dict:
    key = jax.random.key(seed)
    k1, k2 = jax.random.split(key)
    pooled = jax.random.normal(k1, (4, 96, 1024), dtype=jnp.float32)
    spx = jax.random.randint(k2, (4, 512, 512), 0, 1024, dtype=jnp.int64)
    return {"pooled": pooled, "spx": spx}

def reference(pooled, spx):
    # For each batch b: out[b] = pooled[b][:, spx[b]]  -> shape [C, H, W]
    # Implemented as a vmapped gather over the superpixel axis.
    def unpool_one(p, s):
        # p: [C, K], s: [H, W] int -> [C, H, W]
        return jnp.take(p, s, axis=1)
    out = jax.vmap(unpool_one)(pooled, spx)
    return out

if __name__ == "__main__":
    import jax
    _d = setup_inputs()
    print(jax.jit(kernel)(*tuple(_d.values())))

</pallas_src>

<mosaic_0001>
#map = affine_map<(d0, d1) -> (0)>
#map1 = affine_map<(d0, d1) -> (0, 0, 0, 0)>
module attributes {stable_mosaic.version = 14 : i64} {
  func.func @_unpool_body(%arg0: i32, %arg1: i32, %arg2: memref<393216xf32, #tpu.memory_space<hbm>>, %arg3: memref<1048576xi32, #tpu.memory_space<hbm>>, %arg4: memref<4x96x512x512xf32, #tpu.memory_space<hbm>>, %arg5: memref<12288xf32, #tpu.memory_space<vmem>>, %arg6: memref<2x4096xi32, #tpu.memory_space<vmem>>, %arg7: memref<2x12x8x512xf32, #tpu.memory_space<vmem>>, %arg8: memref<!tpu.dma_semaphore, #tpu.memory_space<semaphore_mem>>, %arg9: memref<!tpu.dma_semaphore, #tpu.memory_space<semaphore_mem>>, %arg10: memref<!tpu.dma_semaphore, #tpu.memory_space<semaphore_mem>>, %arg11: memref<!tpu.dma_semaphore, #tpu.memory_space<semaphore_mem>>) attributes {dimension_semantics = [#tpu.dimension_semantics<core_parallel>, #tpu.dimension_semantics<subcore_parallel>], iteration_bounds = array<i64: 2, 16>, scalar_prefetch = 0 : i64, scratch_operands = 7 : i64, tpu.core_type = #tpu.core_type<sc_vector_subcore>, window_params = [{transform_indices = #map}, {transform_indices = #map}, {transform_indices = #map1}]} {
    %mul3A = arith.constant 16 : i32
    %mul3A_0 = arith.muli %arg0, %mul3A : i32
    %add3A = arith.addi %mul3A_0, %arg1 : i32
    %jit3A = arith.constant 8 : i32
    %div3A = arith.divsi %add3A, %jit3A : i32
    %sign3A = arith.constant 0 : i32
    %sign3A_1 = arith.cmpi sgt, %add3A, %sign3A : i32
    %sign3A_2 = arith.extui %sign3A_1 : i1 to i32
    %sign3A_3 = arith.constant 0 : i32
    %sign3A_4 = arith.cmpi slt, %add3A, %sign3A_3 : i32
    %sign3A_5 = arith.extui %sign3A_4 : i1 to i32
    %sign3A_6 = arith.subi %sign3A_2, %sign3A_5 : i32
    %sign3A_7 = arith.constant 0 : i32
    %sign3A_8 = arith.cmpi sgt, %jit3A, %sign3A_7 : i32
    %sign3A_9 = arith.extui %sign3A_8 : i1 to i32
    %sign3A_10 = arith.constant 0 : i32
    %sign3A_11 = arith.cmpi slt, %jit3A, %sign3A_10 : i32
    %sign3A_12 = arith.extui %sign3A_11 : i1 to i32
    %sign3A_13 = arith.subi %sign3A_9, %sign3A_12 : i32
    %ne3A = arith.cmpi ne, %sign3A_6, %sign3A_13 : i32
    %rem3A = arith.remsi %add3A, %jit3A : i32
    %ne3A_14 = arith.constant 0 : i32
    %ne3A_15 = arith.cmpi ne, %rem3A, %ne3A_14 : i32
    %and3A = arith.andi %ne3A, %ne3A_15 : i1
    %sub3A = arith.constant 1 : i32
    %sub3A_16 = arith.subi %div3A, %sub3A : i32
    %select_n3A = arith.select %and3A, %sub3A_16, %div3A : i32
    %jit3A_17 = arith.constant 8 : i32
    %eq3A = arith.constant 0 : i32
    %eq3A_18 = arith.cmpi eq, %jit3A_17, %eq3A : i32
    %jit3A_19 = arith.constant 1 : i32
    %select_n3A_20 = arith.select %eq3A_18, %jit3A_19, %jit3A_17 : i32
    %rem3A_21 = arith.remsi %add3A, %select_n3A_20 : i32
    %ne3A_22 = arith.constant 0 : i32
    %ne3A_23 = arith.cmpi ne, %rem3A_21, %ne3A_22 : i32
    %lt3A = arith.constant 0 : i32
    %lt3A_24 = arith.cmpi slt, %rem3A_21, %lt3A : i32
    %lt3A_25 = arith.constant 0 : i32
    %lt3A_26 = arith.cmpi slt, %select_n3A_20, %lt3A_25 : i32
    %ne3A_27 = arith.xori %lt3A_24, %lt3A_26 : i1
    %and3A_28 = arith.andi %ne3A_27, %ne3A_23 : i1
    %add3A_29 = arith.addi %rem3A_21, %select_n3A_20 : i32
    %select_n3A_30 = arith.select %and3A_28, %add3A_29, %rem3A_21 : i32
    %mul3A_31 = arith.constant 96 : i32
    %mul3A_32 = arith.muli %select_n3A, %mul3A_31 : i32
    %mul3A_33 = arith.constant 12 : i32
    %mul3A_34 = arith.muli %select_n3A_30, %mul3A_33 : i32
    %add3A_35 = arith.addi %mul3A_32, %mul3A_34 : i32
    %mul3A_36 = arith.constant 1024 : i32
    %mul3A_37 = arith.muli %add3A_35, %mul3A_36 : i32
    "tpu.region"() ({
      %run_scoped3A = tpu.sem_alloc : memref<!tpu.dma_semaphore, #tpu.memory_space<semaphore_mem>>
      %dma_start3A_106 = tpu.memref_slice %arg2[%mul3A_37] : memref<393216xf32, #tpu.memory_space<hbm>> -> memref<12288xf32, #tpu.memory_space<hbm>>
      %dma_start3A_107 = tpu.memref_slice %arg2[%mul3A_37] : memref<393216xf32, #tpu.memory_space<hbm>> -> memref<12288xf32, #tpu.memory_space<hbm>>
      tpu.enqueue_dma source(%dma_start3A_107 : memref<12288xf32, #tpu.memory_space<hbm>>) target(%arg5 : memref<12288xf32, #tpu.memory_space<vmem>>) target_semaphore(%run_scoped3A : memref<!tpu.dma_semaphore, #tpu.memory_space<semaphore_mem>>)
      %dma_wait3A_108 = tpu.memref_slice %arg2[%mul3A_37] : memref<393216xf32, #tpu.memory_space<hbm>> -> memref<12288xf32, #tpu.memory_space<hbm>>
      %dma_wait3A_109 = tpu.memref_slice %arg2[%mul3A_37] : memref<393216xf32, #tpu.memory_space<hbm>> -> memref<12288xf32, #tpu.memory_space<hbm>>
      tpu.wait_dma2 semaphore(%run_scoped3A : memref<!tpu.dma_semaphore, #tpu.memory_space<semaphore_mem>>) src(%dma_wait3A_109 : memref<12288xf32, #tpu.memory_space<hbm>>) dst(%arg5 : memref<12288xf32, #tpu.memory_space<vmem>>)
      tpu.yield
    }) : () -> ()
    %mul3A_38 = arith.constant 262144 : i32
    %mul3A_39 = arith.muli %select_n3A, %mul3A_38 : i32
    %add3A_40 = arith.constant 0 : i32
    %add3A_41 = arith.addi %mul3A_39, %add3A_40 : i32
    %dma_start3A = arith.constant 0 : i32
    %dma_start3A_42 = arith.constant 0 : i32
    %dma_start3A_43 = tpu.memref_slice %arg6[%dma_start3A, %dma_start3A_42] : memref<2x4096xi32, #tpu.memory_space<vmem>> -> memref<1x4096xi32, #tpu.memory_space<vmem>>
    %dma_start3A_44 = tpu.memref_squeeze %dma_start3A_43 : memref<1x4096xi32, #tpu.memory_space<vmem>> -> memref<4096xi32, #tpu.memory_space<vmem>>
    %dma_start3A_45 = tpu.memref_slice %arg3[%add3A_41] : memref<1048576xi32, #tpu.memory_space<hbm>> -> memref<4096xi32, #tpu.memory_space<hbm>>
    %dma_start3A_46 = arith.constant 0 : i32
    %dma_start3A_47 = tpu.memref_slice %arg6[%dma_start3A, %dma_start3A_46] : memref<2x4096xi32, #tpu.memory_space<vmem>> -> memref<1x4096xi32, #tpu.memory_space<vmem>>
    %dma_start3A_48 = tpu.memref_squeeze %dma_start3A_47 : memref<1x4096xi32, #tpu.memory_space<vmem>> -> memref<4096xi32, #tpu.memory_space<vmem>>
    %dma_start3A_49 = tpu.memref_slice %arg3[%add3A_41] : memref<1048576xi32, #tpu.memory_space<hbm>> -> memref<4096xi32, #tpu.memory_space<hbm>>
    tpu.enqueue_dma source(%dma_start3A_49 : memref<4096xi32, #tpu.memory_space<hbm>>) target(%dma_start3A_48 : memref<4096xi32, #tpu.memory_space<vmem>>) target_semaphore(%arg8 : memref<!tpu.dma_semaphore, #tpu.memory_space<semaphore_mem>>)
    %add3A_50 = arith.constant 4096 : i32
    %add3A_51 = arith.addi %mul3A_39, %add3A_50 : i32
    %dma_start3A_52 = arith.constant 1 : i32
    %dma_start3A_53 = arith.constant 0 : i32
    %dma_start3A_54 = tpu.memref_slice %arg6[%dma_start3A_52, %dma_start3A_53] : memref<2x4096xi32, #tpu.memory_space<vmem>> -> memref<1x4096xi32, #tpu.memory_space<vmem>>
    %dma_start3A_55 = tpu.memref_squeeze %dma_start3A_54 : memref<1x4096xi32, #tpu.memory_space<vmem>> -> memref<4096xi32, #tpu.memory_space<vmem>>
    %dma_start3A_56 = tpu.memref_slice %arg3[%add3A_51] : memref<1048576xi32, #tpu.memory_space<hbm>> -> memref<4096xi32, #tpu.memory_space<hbm>>
    %dma_start3A_57 = arith.constant 0 : i32
    %dma_start3A_58 = tpu.memref_slice %arg6[%dma_start3A_52, %dma_start3A_57] : memref<2x4096xi32, #tpu.memory_space<vmem>> -> memref<1x4096xi32, #tpu.memory_space<vmem>>
    %dma_start3A_59 = tpu.memref_squeeze %dma_start3A_58 : memref<1x4096xi32, #tpu.memory_space<vmem>> -> memref<4096xi32, #tpu.memory_space<vmem>>
    %dma_start3A_60 = tpu.memref_slice %arg3[%add3A_51] : memref<1048576xi32, #tpu.memory_space<hbm>> -> memref<4096xi32, #tpu.memory_space<hbm>>
    tpu.enqueue_dma source(%dma_start3A_60 : memref<4096xi32, #tpu.memory_space<hbm>>) target(%dma_start3A_59 : memref<4096xi32, #tpu.memory_space<vmem>>) target_semaphore(%arg9 : memref<!tpu.dma_semaphore, #tpu.memory_space<semaphore_mem>>)
    %scan3A = arith.constant 0 : i32
    %scan3A_61 = arith.constant 32 : i32
    %scan3A_62 = arith.addi %scan3A, %scan3A_61 : i32
    %scan3A_63 = arith.constant 1 : i32
    scf.for %scan3A_106 = %scan3A to %scan3A_62 step %scan3A_63  : i32 {
      %mul3A_107 = arith.constant 2 : i32
      %mul3A_108 = arith.muli %scan3A_106, %mul3A_107 : i32
      %add3A_109 = arith.constant 0 : i32
      %add3A_110 = arith.addi %add3A_109, %mul3A_108 : i32
      %dma_wait3A_111 = arith.constant 0 : i32
      %dma_wait3A_112 = arith.constant 0 : i32
      %dma_wait3A_113 = tpu.memref_slice %arg6[%dma_wait3A_111, %dma_wait3A_112] : memref<2x4096xi32, #tpu.memory_space<vmem>> -> memref<1x4096xi32, #tpu.memory_space<vmem>>
      %dma_wait3A_114 = tpu.memref_squeeze %dma_wait3A_113 : memref<1x4096xi32, #tpu.memory_space<vmem>> -> memref<4096xi32, #tpu.memory_space<vmem>>
      %dma_wait3A_115 = tpu.memref_slice %arg3[%mul3A_39] : memref<1048576xi32, #tpu.memory_space<hbm>> -> memref<4096xi32, #tpu.memory_space<hbm>>
      %dma_wait3A_116 = arith.constant 0 : i32
      %dma_wait3A_117 = tpu.memref_slice %arg6[%dma_wait3A_111, %dma_wait3A_116] : memref<2x4096xi32, #tpu.memory_space<vmem>> -> memref<1x4096xi32, #tpu.memory_space<vmem>>
      %dma_wait3A_118 = tpu.memref_squeeze %dma_wait3A_117 : memref<1x4096xi32, #tpu.memory_space<vmem>> -> memref<4096xi32, #tpu.memory_space<vmem>>
      %dma_wait3A_119 = tpu.memref_slice %arg3[%mul3A_39] : memref<1048576xi32, #tpu.memory_space<hbm>> -> memref<4096xi32, #tpu.memory_space<hbm>>
      tpu.wait_dma2 semaphore(%arg8 : memref<!tpu.dma_semaphore, #tpu.memory_space<semaphore_mem>>) src(%dma_wait3A_119 : memref<4096xi32, #tpu.memory_space<hbm>>) dst(%dma_wait3A_118 : memref<4096xi32, #tpu.memory_space<vmem>>)
      %ge3A = arith.constant 2 : i32
      %ge3A_120 = arith.cmpi sge, %add3A_110, %ge3A : i32
      %convert_element_type3A = arith.extui %ge3A_120 : i1 to i32
      %cond3A = arith.constant 0 : i32
      %cond3A_121 = arith.cmpi ne, %convert_element_type3A, %cond3A : i32
      scf.if %cond3A_121 {
        %mul3A_199 = arith.constant 12 : i32
        %mul3A_200 = arith.muli %select_n3A_30, %mul3A_199 : i32
        %dma_wait3A_201 = arith.constant 0 : i32
        %dma_wait3A_202 = arith.constant 0 : i32
        %dma_wait3A_203 = arith.constant 0 : i32
        %dma_wait3A_204 = arith.constant 0 : i32
        %dma_wait3A_205 = tpu.memref_slice %arg7[%dma_wait3A_201, %dma_wait3A_202, %dma_wait3A_203, %dma_wait3A_204] : memref<2x12x8x512xf32, #tpu.memory_space<vmem>> -> memref<1x12x8x512xf32, #tpu.memory_space<vmem>>
        %dma_wait3A_206 = tpu.memref_squeeze %dma_wait3A_205 : memref<1x12x8x512xf32, #tpu.memory_space<vmem>> -> memref<12x8x512xf32, #tpu.memory_space<vmem>>
        %dma_wait3A_207 = arith.constant 0 : i32
        %dma_wait3A_208 = arith.constant 0 : i32
        %dma_wait3A_209 = tpu.memref_slice %arg4[%select_n3A, %mul3A_200, %dma_wait3A_207, %dma_wait3A_208] : memref<4x96x512x512xf32, #tpu.memory_space<hbm>> -> memref<1x12x8x512xf32, #tpu.memory_space<hbm>>
        %dma_wait3A_210 = tpu.memref_squeeze %dma_wait3A_209 : memref<1x12x8x512xf32, #tpu.memory_space<hbm>> -> memref<12x8x512xf32, #tpu.memory_space<hbm>>
        %dma_wait3A_211 = arith.constant 0 : i32
        %dma_wait3A_212 = arith.constant 0 : i32
        %dma_wait3A_213 = tpu.memref_slice %arg4[%select_n3A, %mul3A_200, %dma_wait3A_211, %dma_wait3A_212] : memref<4x96x512x512xf32, #tpu.memory_space<hbm>> -> memref<1x12x8x512xf32, #tpu.memory_space<hbm>>
        %dma_wait3A_214 = tpu.memref_squeeze %dma_wait3A_213 : memref<1x12x8x512xf32, #tpu.memory_space<hbm>> -> memref<12x8x512xf32, #tpu.memory_space<hbm>>
        %dma_wait3A_215 = arith.constant 0 : i32
        %dma_wait3A_216 = arith.constant 0 : i32
        %dma_wait3A_217 = arith.constant 0 : i32
        %dma_wait3A_218 = tpu.memref_slice %arg7[%dma_wait3A_201, %dma_wait3A_215, %dma_wait3A_216, %dma_wait3A_217] : memref<2x12x8x512xf32, #tpu.memory_space<vmem>> -> memref<1x12x8x512xf32, #tpu.memory_space<vmem>>
        %dma_wait3A_219 = tpu.memref_squeeze %dma_wait3A_218 : memref<1x12x8x512xf32, #tpu.memory_space<vmem>> -> memref<12x8x512xf32, #tpu.memory_space<vmem>>
        tpu.wait_dma2 semaphore(%arg10 : memref<!tpu.dma_semaphore, #tpu.memory_space<semaphore_mem>>) src(%dma_wait3A_219 : memref<12x8x512xf32, #tpu.memory_space<vmem>>) dst(%dma_wait3A_214 : memref<12x8x512xf32, #tpu.memory_space<hbm>>)
      } else {
      }
      %parallel_loop3A = arith.constant 0 : i32
      %parallel_loop3A_122 = arith.constant 4096 : i32
      %parallel_loop3A_123 = arith.constant 16 : i32
      scf.for %parallel_loop3A_199 = %parallel_loop3A to %parallel_loop3A_122 step %parallel_loop3A_123  : i32 {
        %parallel_loop3A_200 = arith.constant 512 : i32
        %parallel_loop3A_201 = arith.divsi %parallel_loop3A_199, %parallel_loop3A_200 : i32
        %parallel_loop3A_202 = arith.constant 0 : i32
        %parallel_loop3A_203 = arith.cmpi sgt, %parallel_loop3A_199, %parallel_loop3A_202 : i32
        %parallel_loop3A_204 = arith.extui %parallel_loop3A_203 : i1 to i32
        %parallel_loop3A_205 = arith.constant 0 : i32
        %parallel_loop3A_206 = arith.cmpi slt, %parallel_loop3A_199, %parallel_loop3A_205 : i32
        %parallel_loop3A_207 = arith.extui %parallel_loop3A_206 : i1 to i32
        %parallel_loop3A_208 = arith.subi %parallel_loop3A_204, %parallel_loop3A_207 : i32
        %parallel_loop3A_209 = arith.constant 0 : i32
        %parallel_loop3A_210 = arith.cmpi sgt, %parallel_loop3A_200, %parallel_loop3A_209 : i32
        %parallel_loop3A_211 = arith.extui %parallel_loop3A_210 : i1 to i32
        %parallel_loop3A_212 = arith.constant 0 : i32
        %parallel_loop3A_213 = arith.cmpi slt, %parallel_loop3A_200, %parallel_loop3A_212 : i32
        %parallel_loop3A_214 = arith.extui %parallel_loop3A_213 : i1 to i32
        %parallel_loop3A_215 = arith.subi %parallel_loop3A_211, %parallel_loop3A_214 : i32
        %parallel_loop3A_216 = arith.cmpi ne, %parallel_loop3A_208, %parallel_loop3A_215 : i32
        %parallel_loop3A_217 = arith.remsi %parallel_loop3A_199, %parallel_loop3A_200 : i32
        %parallel_loop3A_218 = arith.constant 0 : i32
        %parallel_loop3A_219 = arith.cmpi ne, %parallel_loop3A_217, %parallel_loop3A_218 : i32
        %parallel_loop3A_220 = arith.andi %parallel_loop3A_216, %parallel_loop3A_219 : i1
        %parallel_loop3A_221 = arith.constant 1 : i32
        %parallel_loop3A_222 = arith.subi %parallel_loop3A_201, %parallel_loop3A_221 : i32
        %parallel_loop3A_223 = arith.select %parallel_loop3A_220, %parallel_loop3A_222, %parallel_loop3A_201 : i32
        %parallel_loop3A_224 = arith.constant 512 : i32
        %parallel_loop3A_225 = arith.muli %parallel_loop3A_223, %parallel_loop3A_224 : i32
        %parallel_loop3A_226 = arith.subi %parallel_loop3A_199, %parallel_loop3A_225 : i32
        %parallel_loop3A_227 = arith.constant 0 : i32
        %parallel_loop3A_228 = arith.index_cast %parallel_loop3A_227 : i32 to index
        %parallel_loop3A_229 = arith.index_cast %parallel_loop3A_199 : i32 to index
        %parallel_loop3A_230 = tpu.vector_load %arg6[%parallel_loop3A_228, %parallel_loop3A_229] {strides = array<i32>} : memref<2x4096xi32, #tpu.memory_space<vmem>>, vector<16xi32>,
        %parallel_loop3A_231 = arith.constant 0 : i32
        %parallel_loop3A_232 = tpu.memref_slice %arg5[%parallel_loop3A_231] : memref<12288xf32, #tpu.memory_space<vmem>> -> memref<1024xf32, #tpu.memory_space<vmem>>
        %parallel_loop3A_233 = tpu.vector_load_idx %parallel_loop3A_232[%parallel_loop3A_230] : memref<1024xf32, #tpu.memory_space<vmem>>[vector<16xi32>], vector<16xf32>,
        %parallel_loop3A_234 = arith.constant 0 : i32
        %parallel_loop3A_235 = arith.constant 0 : i32
        %parallel_loop3A_236 = arith.index_cast %parallel_loop3A_234 : i32 to index
        %parallel_loop3A_237 = arith.index_cast %parallel_loop3A_235 : i32 to index
        %parallel_loop3A_238 = arith.index_cast %parallel_loop3A_223 : i32 to index
        %parallel_loop3A_239 = arith.index_cast %parallel_loop3A_226 : i32 to index
        %parallel_loop3A_240 = tpu.vector_load %arg7[%parallel_loop3A_236, %parallel_loop3A_237, %parallel_loop3A_238, %parallel_loop3A_239] {strides = array<i32>} : memref<2x12x8x512xf32, #tpu.memory_space<vmem>>, vector<16xf32>,
        tpu.vector_store %arg7[%parallel_loop3A_236, %parallel_loop3A_237, %parallel_loop3A_238, %parallel_loop3A_239], %parallel_loop3A_233 {strides = array<i32>} : memref<2x12x8x512xf32, #tpu.memory_space<vmem>>, vector<16xf32>,
        %parallel_loop3A_241 = arith.constant 1024 : i32
        %parallel_loop3A_242 = tpu.memref_slice %arg5[%parallel_loop3A_241] : memref<12288xf32, #tpu.memory_space<vmem>> -> memref<1024xf32, #tpu.memory_space<vmem>>
        %parallel_loop3A_243 = tpu.vector_load_idx %parallel_loop3A_242[%parallel_loop3A_230] : memref<1024xf32, #tpu.memory_space<vmem>>[vector<16xi32>], vector<16xf32>,
        %parallel_loop3A_244 = arith.constant 0 : i32
        %parallel_loop3A_245 = arith.constant 1 : i32
        %parallel_loop3A_246 = arith.index_cast %parallel_loop3A_244 : i32 to index
        %parallel_loop3A_247 = arith.index_cast %parallel_loop3A_245 : i32 to index
        %parallel_loop3A_248 = arith.index_cast %parallel_loop3A_223 : i32 to index
        %parallel_loop3A_249 = arith.index_cast %parallel_loop3A_226 : i32 to index
        %parallel_loop3A_250 = tpu.vector_load %arg7[%parallel_loop3A_246, %parallel_loop3A_247, %parallel_loop3A_248, %parallel_loop3A_249] {strides = array<i32>} : memref<2x12x8x512xf32, #tpu.memory_space<vmem>>, vector<16xf32>,
        tpu.vector_store %arg7[%parallel_loop3A_246, %parallel_loop3A_247, %parallel_loop3A_248, %parallel_loop3A_249], %parallel_loop3A_243 {strides = array<i32>} : memref<2x12x8x512xf32, #tpu.memory_space<vmem>>, vector<16xf32>,
        %parallel_loop3A_251 = arith.constant 2048 : i32
        %parallel_loop3A_252 = tpu.memref_slice %arg5[%parallel_loop3A_251] : memref<12288xf32, #tpu.memory_space<vmem>> -> memref<1024xf32, #tpu.memory_space<vmem>>
        %parallel_loop3A_253 = tpu.vector_load_idx %parallel_loop3A_252[%parallel_loop3A_230] : memref<1024xf32, #tpu.memory_space<vmem>>[vector<16xi32>], vector<16xf32>,
        %parallel_loop3A_254 = arith.constant 0 : i32
        %parallel_loop3A_255 = arith.constant 2 : i32
        %parallel_loop3A_256 = arith.index_cast %parallel_loop3A_254 : i32 to index
        %parallel_loop3A_257 = arith.index_cast %parallel_loop3A_255 : i32 to index
        %parallel_loop3A_258 = arith.index_cast %parallel_loop3A_223 : i32 to index
        %parallel_loop3A_259 = arith.index_cast %parallel_loop3A_226 : i32 to index
        %parallel_loop3A_260 = tpu.vector_load %arg7[%parallel_loop3A_256, %parallel_loop3A_257, %parallel_loop3A_258, %parallel_loop3A_259] {strides = array<i32>} : memref<2x12x8x512xf32, #tpu.memory_space<vmem>>, vector<16xf32>,
        tpu.vector_store %arg7[%parallel_loop3A_256, %parallel_loop3A_257, %parallel_loop3A_258, %parallel_loop3A_259], %parallel_loop3A_253 {strides = array<i32>} : memref<2x12x8x512xf32, #tpu.memory_space<vmem>>, vector<16xf32>,
        %parallel_loop3A_261 = arith.constant 3072 : i32
        %parallel_loop3A_262 = tpu.memref_slice %arg5[%parallel_loop3A_261] : memref<12288xf32, #tpu.memory_space<vmem>> -> memref<1024xf32, #tpu.memory_space<vmem>>
        %parallel_loop3A_263 = tpu.vector_load_idx %parallel_loop3A_262[%parallel_loop3A_230] : memref<1024xf32, #tpu.memory_space<vmem>>[vector<16xi32>], vector<16xf32>,
        %parallel_loop3A_264 = arith.constant 0 : i32
        %parallel_loop3A_265 = arith.constant 3 : i32
        %parallel_loop3A_266 = arith.index_cast %parallel_loop3A_264 : i32 to index
        %parallel_loop3A_267 = arith.index_cast %parallel_loop3A_265 : i32 to index
        %parallel_loop3A_268 = arith.index_cast %parallel_loop3A_223 : i32 to index
        %parallel_loop3A_269 = arith.index_cast %parallel_loop3A_226 : i32 to index
        %parallel_loop3A_270 = tpu.vector_load %arg7[%parallel_loop3A_266, %parallel_loop3A_267, %parallel_loop3A_268, %parallel_loop3A_269] {strides = array<i32>} : memref<2x12x8x512xf32, #tpu.memory_space<vmem>>, vector<16xf32>,
        tpu.vector_store %arg7[%parallel_loop3A_266, %parallel_loop3A_267, %parallel_loop3A_268, %parallel_loop3A_269], %parallel_loop3A_263 {strides = array<i32>} : memref<2x12x8x512xf32, #tpu.memory_space<vmem>>, vector<16xf32>,
        %parallel_loop3A_271 = arith.constant 4096 : i32
        %parallel_loop3A_272 = tpu.memref_slice %arg5[%parallel_loop3A_271] : memref<12288xf32, #tpu.memory_space<vmem>> -> memref<1024xf32, #tpu.memory_space<vmem>>
        %parallel_loop3A_273 = tpu.vector_load_idx %parallel_loop3A_272[%parallel_loop3A_230] : memref<1024xf32, #tpu.memory_space<vmem>>[vector<16xi32>], vector<16xf32>,
        %parallel_loop3A_274 = arith.constant 0 : i32
        %parallel_loop3A_275 = arith.constant 4 : i32
        %parallel_loop3A_276 = arith.index_cast %parallel_loop3A_274 : i32 to index
        %parallel_loop3A_277 = arith.index_cast %parallel_loop3A_275 : i32 to index
        %parallel_loop3A_278 = arith.index_cast %parallel_loop3A_223 : i32 to index
        %parallel_loop3A_279 = arith.index_cast %parallel_loop3A_226 : i32 to index
        %parallel_loop3A_280 = tpu.vector_load %arg7[%parallel_loop3A_276, %parallel_loop3A_277, %parallel_loop3A_278, %parallel_loop3A_279] {strides = array<i32>} : memref<2x12x8x512xf32, #tpu.memory_space<vmem>>, vector<16xf32>,
        tpu.vector_store %arg7[%parallel_loop3A_276, %parallel_loop3A_277, %parallel_loop3A_278, %parallel_loop3A_279], %parallel_loop3A_273 {strides = array<i32>} : memref<2x12x8x512xf32, #tpu.memory_space<vmem>>, vector<16xf32>,
        %parallel_loop3A_281 = arith.constant 5120 : i32
        %parallel_loop3A_282 = tpu.memref_slice %arg5[%parallel_loop3A_281] : memref<12288xf32, #tpu.memory_space<vmem>> -> memref<1024xf32, #tpu.memory_space<vmem>>
        %parallel_loop3A_283 = tpu.vector_load_idx %parallel_loop3A_282[%parallel_loop3A_230] : memref<1024xf32, #tpu.memory_space<vmem>>[vector<16xi32>], vector<16xf32>,
        %parallel_loop3A_284 = arith.constant 0 : i32
        %parallel_loop3A_285 = arith.constant 5 : i32
        %parallel_loop3A_286 = arith.index_cast %parallel_loop3A_284 : i32 to index
        %parallel_loop3A_287 = arith.index_cast %parallel_loop3A_285 : i32 to index
        %parallel_loop3A_288 = arith.index_cast %parallel_loop3A_223 : i32 to index
        %parallel_loop3A_289 = arith.index_cast %parallel_loop3A_226 : i32 to index
        %parallel_loop3A_290 = tpu.vector_load %arg7[%parallel_loop3A_286, %parallel_loop3A_287, %parallel_loop3A_288, %parallel_loop3A_289] {strides = array<i32>} : memref<2x12x8x512xf32, #tpu.memory_space<vmem>>, vector<16xf32>,
        tpu.vector_store %arg7[%parallel_loop3A_286, %parallel_loop3A_287, %parallel_loop3A_288, %parallel_loop3A_289], %parallel_loop3A_283 {strides = array<i32>} : memref<2x12x8x512xf32, #tpu.memory_space<vmem>>, vector<16xf32>,
        %parallel_loop3A_291 = arith.constant 6144 : i32
        %parallel_loop3A_292 = tpu.memref_slice %arg5[%parallel_loop3A_291] : memref<12288xf32, #tpu.memory_space<vmem>> -> memref<1024xf32, #tpu.memory_space<vmem>>
        %parallel_loop3A_293 = tpu.vector_load_idx %parallel_loop3A_292[%parallel_loop3A_230] : memref<1024xf32, #tpu.memory_space<vmem>>[vector<16xi32>], vector<16xf32>,
        %parallel_loop3A_294 = arith.constant 0 : i32
        %parallel_loop3A_295 = arith.constant 6 : i32
        %parallel_loop3A_296 = arith.index_cast %parallel_loop3A_294 : i32 to index
        %parallel_loop3A_297 = arith.index_cast %parallel_loop3A_295 : i32 to index
        %parallel_loop3A_298 = arith.index_cast %parallel_loop3A_223 : i32 to index
        %parallel_loop3A_299 = arith.index_cast %parallel_loop3A_226 : i32 to index
        %parallel_loop3A_300 = tpu.vector_load %arg7[%parallel_loop3A_296, %parallel_loop3A_297, %parallel_loop3A_298, %parallel_loop3A_299] {strides = array<i32>} : memref<2x12x8x512xf32, #tpu.memory_space<vmem>>, vector<16xf32>,
        tpu.vector_store %arg7[%parallel_loop3A_296, %parallel_loop3A_297, %parallel_loop3A_298, %parallel_loop3A_299], %parallel_loop3A_293 {strides = array<i32>} : memref<2x12x8x512xf32, #tpu.memory_space<vmem>>, vector<16xf32>,
        %parallel_loop3A_301 = arith.constant 7168 : i32
        %parallel_loop3A_302 = tpu.memref_slice %arg5[%parallel_loop3A_301] : memref<12288xf32, #tpu.memory_space<vmem>> -> memref<1024xf32, #tpu.memory_space<vmem>>
        %parallel_loop3A_303 = tpu.vector_load_idx %parallel_loop3A_302[%parallel_loop3A_230] : memref<1024xf32, #tpu.memory_space<vmem>>[vector<16xi32>], vector<16xf32>,
        %parallel_loop3A_304 = arith.constant 0 : i32
        %parallel_loop3A_305 = arith.constant 7 : i32
        %parallel_loop3A_306 = arith.index_cast %parallel_loop3A_304 : i32 to index
        %parallel_loop3A_307 = arith.index_cast %parallel_loop3A_305 : i32 to index
        %parallel_loop3A_308 = arith.index_cast %parallel_loop3A_223 : i32 to index
        %parallel_loop3A_309 = arith.index_cast %parallel_loop3A_226 : i32 to index
        %parallel_loop3A_310 = tpu.vector_load %arg7[%parallel_loop3A_306, %parallel_loop3A_307, %parallel_loop3A_308, %parallel_loop3A_309] {strides = array<i32>} : memref<2x12x8x512xf32, #tpu.memory_space<vmem>>, vector<16xf32>,
        tpu.vector_store %arg7[%parallel_loop3A_306, %parallel_loop3A_307, %parallel_loop3A_308, %parallel_loop3A_309], %parallel_loop3A_303 {strides = array<i32>} : memref<2x12x8x512xf32, #tpu.memory_space<vmem>>, vector<16xf32>,
        %parallel_loop3A_311 = arith.constant 8192 : i32
        %parallel_loop3A_312 = tpu.memref_slice %arg5[%parallel_loop3A_311] : memref<12288xf32, #tpu.memory_space<vmem>> -> memref<1024xf32, #tpu.memory_space<vmem>>
        %parallel_loop3A_313 = tpu.vector_load_idx %parallel_loop3A_312[%parallel_loop3A_230] : memref<1024xf32, #tpu.memory_space<vmem>>[vector<16xi32>], vector<16xf32>,
        %parallel_loop3A_314 = arith.constant 0 : i32
        %parallel_loop3A_315 = arith.constant 8 : i32
        %parallel_loop3A_316 = arith.index_cast %parallel_loop3A_314 : i32 to index
        %parallel_loop3A_317 = arith.index_cast %parallel_loop3A_315 : i32 to index
        %parallel_loop3A_318 = arith.index_cast %parallel_loop3A_223 : i32 to index
        %parallel_loop3A_319 = arith.index_cast %parallel_loop3A_226 : i32 to index
        %parallel_loop3A_320 = tpu.vector_load %arg7[%parallel_loop3A_316, %parallel_loop3A_317, %parallel_loop3A_318, %parallel_loop3A_319] {strides = array<i32>} : memref<2x12x8x512xf32, #tpu.memory_space<vmem>>, vector<16xf32>,
        tpu.vector_store %arg7[%parallel_loop3A_316, %parallel_loop3A_317, %parallel_loop3A_318, %parallel_loop3A_319], %parallel_loop3A_313 {strides = array<i32>} : memref<2x12x8x512xf32, #tpu.memory_space<vmem>>, vector<16xf32>,
        %parallel_loop3A_321 = arith.constant 9216 : i32
        %parallel_loop3A_322 = tpu.memref_slice %arg5[%parallel_loop3A_321] : memref<12288xf32, #tpu.memory_space<vmem>> -> memref<1024xf32, #tpu.memory_space<vmem>>
        %parallel_loop3A_323 = tpu.vector_load_idx %parallel_loop3A_322[%parallel_loop3A_230] : memref<1024xf32, #tpu.memory_space<vmem>>[vector<16xi32>], vector<16xf32>,
        %parallel_loop3A_324 = arith.constant 0 : i32
        %parallel_loop3A_325 = arith.constant 9 : i32
        %parallel_loop3A_326 = arith.index_cast %parallel_loop3A_324 : i32 to index
        %parallel_loop3A_327 = arith.index_cast %parallel_loop3A_325 : i32 to index
        %parallel_loop3A_328 = arith.index_cast %parallel_loop3A_223 : i32 to index
        %parallel_loop3A_329 = arith.index_cast %parallel_loop3A_226 : i32 to index
        %parallel_loop3A_330 = tpu.vector_load %arg7[%parallel_loop3A_326, %parallel_loop3A_327, %parallel_loop3A_328, %parallel_loop3A_329] {strides = array<i32>} : memref<2x12x8x512xf32, #tpu.memory_space<vmem>>, vector<16xf32>,
        tpu.vector_store %arg7[%parallel_loop3A_326, %parallel_loop3A_327, %parallel_loop3A_328, %parallel_loop3A_329], %parallel_loop3A_323 {strides = array<i32>} : memref<2x12x8x512xf32, #tpu.memory_space<vmem>>, vector<16xf32>,
        %parallel_loop3A_331 = arith.constant 10240 : i32
        %parallel_loop3A_332 = tpu.memref_slice %arg5[%parallel_loop3A_331] : memref<12288xf32, #tpu.memory_space<vmem>> -> memref<1024xf32, #tpu.memory_space<vmem>>
        %parallel_loop3A_333 = tpu.vector_load_idx %parallel_loop3A_332[%parallel_loop3A_230] : memref<1024xf32, #tpu.memory_space<vmem>>[vector<16xi32>], vector<16xf32>,
        %parallel_loop3A_334 = arith.constant 0 : i32
        %parallel_loop3A_335 = arith.constant 10 : i32
        %parallel_loop3A_336 = arith.index_cast %parallel_loop3A_334 : i32 to index
        %parallel_loop3A_337 = arith.index_cast %parallel_loop3A_335 : i32 to index
        %parallel_loop3A_338 = arith.index_cast %parallel_loop3A_223 : i32 to index
        %parallel_loop3A_339 = arith.index_cast %parallel_loop3A_226 : i32 to index
        %parallel_loop3A_340 = tpu.vector_load %arg7[%parallel_loop3A_336, %parallel_loop3A_337, %parallel_loop3A_338, %parallel_loop3A_339] {strides = array<i32>} : memref<2x12x8x512xf32, #tpu.memory_space<vmem>>, vector<16xf32>,
        tpu.vector_store %arg7[%parallel_loop3A_336, %parallel_loop3A_337, %parallel_loop3A_338, %parallel_loop3A_339], %parallel_loop3A_333 {strides = array<i32>} : memref<2x12x8x512xf32, #tpu.memory_space<vmem>>, vector<16xf32>,
        %parallel_loop3A_341 = arith.constant 11264 : i32
        %parallel_loop3A_342 = tpu.memref_slice %arg5[%parallel_loop3A_341] : memref<12288xf32, #tpu.memory_space<vmem>> -> memref<1024xf32, #tpu.memory_space<vmem>>
        %parallel_loop3A_343 = tpu.vector_load_idx %parallel_loop3A_342[%parallel_loop3A_230] : memref<1024xf32, #tpu.memory_space<vmem>>[vector<16xi32>], vector<16xf32>,
        %parallel_loop3A_344 = arith.constant 0 : i32
        %parallel_loop3A_345 = arith.constant 11 : i32
        %parallel_loop3A_346 = arith.index_cast %parallel_loop3A_344 : i32 to index
        %parallel_loop3A_347 = arith.index_cast %parallel_loop3A_345 : i32 to index
        %parallel_loop3A_348 = arith.index_cast %parallel_loop3A_223 : i32 to index
        %parallel_loop3A_349 = arith.index_cast %parallel_loop3A_226 : i32 to index
        %parallel_loop3A_350 = tpu.vector_load %arg7[%parallel_loop3A_346, %parallel_loop3A_347, %parallel_loop3A_348, %parallel_loop3A_349] {strides = array<i32>} : memref<2x12x8x512xf32, #tpu.memory_space<vmem>>, vector<16xf32>,
        tpu.vector_store %arg7[%parallel_loop3A_346, %parallel_loop3A_347, %parallel_loop3A_348, %parallel_loop3A_349], %parallel_loop3A_343 {strides = array<i32>} : memref<2x12x8x512xf32, #tpu.memory_space<vmem>>, vector<16xf32>,
      } {sc.loop_unroll_factor = 4 : i64, sc.parallel_access}
      %mul3A_124 = arith.constant 12 : i32
      %mul3A_125 = arith.muli %select_n3A_30, %mul3A_124 : i32
      %mul3A_126 = arith.constant 8 : i32
      %mul3A_127 = arith.muli %add3A_110, %mul3A_126 : i32
      %dma_start3A_128 = arith.constant 0 : i32
      %dma_start3A_129 = arith.constant 0 : i32
      %dma_start3A_130 = arith.constant 0 : i32
      %dma_start3A_131 = arith.constant 0 : i32
      %dma_start3A_132 = tpu.memref_slice %arg7[%dma_start3A_128, %dma_start3A_129, %dma_start3A_130, %dma_start3A_131] : memref<2x12x8x512xf32, #tpu.memory_space<vmem>> -> memref<1x12x8x512xf32, #tpu.memory_space<vmem>>
      %dma_start3A_133 = tpu.memref_squeeze %dma_start3A_132 : memref<1x12x8x512xf32, #tpu.memory_space<vmem>> -> memref<12x8x512xf32, #tpu.memory_space<vmem>>
      %dma_start3A_134 = arith.constant 0 : i32
      %dma_start3A_135 = tpu.memref_slice %arg4[%select_n3A, %mul3A_125, %mul3A_127, %dma_start3A_134] : memref<4x96x512x512xf32, #tpu.memory_space<hbm>> -> memref<1x12x8x512xf32, #tpu.memory_space<hbm>>
      %dma_start3A_136 = tpu.memref_squeeze %dma_start3A_135 : memref<1x12x8x512xf32, #tpu.memory_space<hbm>> -> memref<12x8x512xf32, #tpu.memory_space<hbm>>
      %dma_start3A_137 = arith.constant 0 : i32
      %dma_start3A_138 = tpu.memref_slice %arg4[%select_n3A, %mul3A_125, %mul3A_127, %dma_start3A_137] : memref<4x96x512x512xf32, #tpu.memory_space<hbm>> -> memref<1x12x8x512xf32, #tpu.memory_space<hbm>>
      %dma_start3A_139 = tpu.memref_squeeze %dma_start3A_138 : memref<1x12x8x512xf32, #tpu.memory_space<hbm>> -> memref<12x8x512xf32, #tpu.memory_space<hbm>>
      %dma_start3A_140 = arith.constant 0 : i32
      %dma_start3A_141 = arith.constant 0 : i32
      %dma_start3A_142 = arith.constant 0 : i32
      %dma_start3A_143 = tpu.memref_slice %arg7[%dma_start3A_128, %dma_start3A_140, %dma_start3A_141, %dma_start3A_142] : memref<2x12x8x512xf32, #tpu.memory_space<vmem>> -> memref<1x12x8x512xf32, #tpu.memory_space<vmem>>
      %dma_start3A_144 = tpu.memref_squeeze %dma_start3A_143 : memref<1x12x8x512xf32, #tpu.memory_space<vmem>> -> memref<12x8x512xf32, #tpu.memory_space<vmem>>
      tpu.enqueue_dma source(%dma_start3A_144 : memref<12x8x512xf32, #tpu.memory_space<vmem>>) target(%dma_start3A_139 : memref<12x8x512xf32, #tpu.memory_space<hbm>>) target_semaphore(%arg10 : memref<!tpu.dma_semaphore, #tpu.memory_space<semaphore_mem>>)
      %add3A_145 = arith.constant 2 : i32
      %add3A_146 = arith.addi %add3A_110, %add3A_145 : i32
      %lt3A_147 = arith.constant 64 : i32
      %lt3A_148 = arith.cmpi slt, %add3A_146, %lt3A_147 : i32
      %convert_element_type3A_149 = arith.extui %lt3A_148 : i1 to i32
      %cond3A_150 = arith.constant 0 : i32
      %cond3A_151 = arith.cmpi ne, %convert_element_type3A_149, %cond3A_150 : i32
      scf.if %cond3A_151 {
        %add3A_199 = arith.constant 2 : i32
        %add3A_200 = arith.addi %add3A_110, %add3A_199 : i32
        %mul3A_201 = arith.constant 4096 : i32
        %mul3A_202 = arith.muli %add3A_200, %mul3A_201 : i32
        %add3A_203 = arith.addi %mul3A_39, %mul3A_202 : i32
        %dma_start3A_204 = arith.constant 0 : i32
        %dma_start3A_205 = arith.constant 0 : i32
        %dma_start3A_206 = tpu.memref_slice %arg6[%dma_start3A_204, %dma_start3A_205] : memref<2x4096xi32, #tpu.memory_space<vmem>> -> memref<1x4096xi32, #tpu.memory_space<vmem>>
        %dma_start3A_207 = tpu.memref_squeeze %dma_start3A_206 : memref<1x4096xi32, #tpu.memory_space<vmem>> -> memref<4096xi32, #tpu.memory_space<vmem>>
        %dma_start3A_208 = tpu.memref_slice %arg3[%add3A_203] : memref<1048576xi32, #tpu.memory_space<hbm>> -> memref<4096xi32, #tpu.memory_space<hbm>>
        %dma_start3A_209 = arith.constant 0 : i32
        %dma_start3A_210 = tpu.memref_slice %arg6[%dma_start3A_204, %dma_start3A_209] : memref<2x4096xi32, #tpu.memory_space<vmem>> -> memref<1x4096xi32, #tpu.memory_space<vmem>>
        %dma_start3A_211 = tpu.memref_squeeze %dma_start3A_210 : memref<1x4096xi32, #tpu.memory_space<vmem>> -> memref<4096xi32, #tpu.memory_space<vmem>>
        %dma_start3A_212 = tpu.memref_slice %arg3[%add3A_203] : memref<1048576xi32, #tpu.memory_space<hbm>> -> memref<4096xi32, #tpu.memory_space<hbm>>
        tpu.enqueue_dma source(%dma_start3A_212 : memref<4096xi32, #tpu.memory_space<hbm>>) target(%dma_start3A_211 : memref<4096xi32, #tpu.memory_space<vmem>>) target_semaphore(%arg8 : memref<!tpu.dma_semaphore, #tpu.memory_space<semaphore_mem>>)
      } else {
      }
      %add3A_152 = arith.constant 1 : i32
      %add3A_153 = arith.addi %add3A_110, %add3A_152 : i32
      %dma_wait3A_154 = arith.constant 1 : i32
      %dma_wait3A_155 = arith.constant 0 : i32
      %dma_wait3A_156 = tpu.memref_slice %arg6[%dma_wait3A_154, %dma_wait3A_155] : memref<2x4096xi32, #tpu.memory_space<vmem>> -> memref<1x4096xi32, #tpu.memory_space<vmem>>
      %dma_wait3A_157 = tpu.memref_squeeze %dma_wait3A_156 : memref<1x4096xi32, #tpu.memory_space<vmem>> -> memref<4096xi32, #tpu.memory_space<vmem>>
      %dma_wait3A_158 = tpu.memref_slice %arg3[%mul3A_39] : memref<1048576xi32, #tpu.memory_space<hbm>> -> memref<4096xi32, #tpu.memory_space<hbm>>
      %dma_wait3A_159 = arith.constant 0 : i32
      %dma_wait3A_160 = tpu.memref_slice %arg6[%dma_wait3A_154, %dma_wait3A_159] : memref<2x4096xi32, #tpu.memory_space<vmem>> -> memref<1x4096xi32, #tpu.memory_space<vmem>>
      %dma_wait3A_161 = tpu.memref_squeeze %dma_wait3A_160 : memref<1x4096xi32, #tpu.memory_space<vmem>> -> memref<4096xi32, #tpu.memory_space<vmem>>
      %dma_wait3A_162 = tpu.memref_slice %arg3[%mul3A_39] : memref<1048576xi32, #tpu.memory_space<hbm>> -> memref<4096xi32, #tpu.memory_space<hbm>>
      tpu.wait_dma2 semaphore(%arg9 : memref<!tpu.dma_semaphore, #tpu.memory_space<semaphore_mem>>) src(%dma_wait3A_162 : memref<4096xi32, #tpu.memory_space<hbm>>) dst(%dma_wait3A_161 : memref<4096xi32, #tpu.memory_space<vmem>>)
      %ge3A_163 = arith.constant 2 : i32
      %ge3A_164 = arith.cmpi sge, %add3A_153, %ge3A_163 : i32
      %convert_element_type3A_165 = arith.extui %ge3A_164 : i1 to i32
      %cond3A_166 = arith.constant 0 : i32
      %cond3A_167 = arith.cmpi ne, %convert_element_type3A_165, %cond3A_166 : i32
      scf.if %cond3A_167 {
        %mul3A_199 = arith.constant 12 : i32
        %mul3A_200 = arith.muli %select_n3A_30, %mul3A_199 : i32
        %dma_wait3A_201 = arith.constant 1 : i32
        %dma_wait3A_202 = arith.constant 0 : i32
        %dma_wait3A_203 = arith.constant 0 : i32
        %dma_wait3A_204 = arith.constant 0 : i32
        %dma_wait3A_205 = tpu.memref_slice %arg7[%dma_wait3A_201, %dma_wait3A_202, %dma_wait3A_203, %dma_wait3A_204] : memref<2x12x8x512xf32, #tpu.memory_space<vmem>> -> memref<1x12x8x512xf32, #tpu.memory_space<vmem>>
        %dma_wait3A_206 = tpu.memref_squeeze %dma_wait3A_205 : memref<1x12x8x512xf32, #tpu.memory_space<vmem>> -> memref<12x8x512xf32, #tpu.memory_space<vmem>>
        %dma_wait3A_207 = arith.constant 0 : i32
        %dma_wait3A_208 = arith.constant 0 : i32
        %dma_wait3A_209 = tpu.memref_slice %arg4[%select_n3A, %mul3A_200, %dma_wait3A_207, %dma_wait3A_208] : memref<4x96x512x512xf32, #tpu.memory_space<hbm>> -> memref<1x12x8x512xf32, #tpu.memory_space<hbm>>
        %dma_wait3A_210 = tpu.memref_squeeze %dma_wait3A_209 : memref<1x12x8x512xf32, #tpu.memory_space<hbm>> -> memref<12x8x512xf32, #tpu.memory_space<hbm>>
        %dma_wait3A_211 = arith.constant 0 : i32
        %dma_wait3A_212 = arith.constant 0 : i32
        %dma_wait3A_213 = tpu.memref_slice %arg4[%select_n3A, %mul3A_200, %dma_wait3A_211, %dma_wait3A_212] : memref<4x96x512x512xf32, #tpu.memory_space<hbm>> -> memref<1x12x8x512xf32, #tpu.memory_space<hbm>>
        %dma_wait3A_214 = tpu.memref_squeeze %dma_wait3A_213 : memref<1x12x8x512xf32, #tpu.memory_space<hbm>> -> memref<12x8x512xf32, #tpu.memory_space<hbm>>
        %dma_wait3A_215 = arith.constant 0 : i32
        %dma_wait3A_216 = arith.constant 0 : i32
        %dma_wait3A_217 = arith.constant 0 : i32
        %dma_wait3A_218 = tpu.memref_slice %arg7[%dma_wait3A_201, %dma_wait3A_215, %dma_wait3A_216, %dma_wait3A_217] : memref<2x12x8x512xf32, #tpu.memory_space<vmem>> -> memref<1x12x8x512xf32, #tpu.memory_space<vmem>>
        %dma_wait3A_219 = tpu.memref_squeeze %dma_wait3A_218 : memref<1x12x8x512xf32, #tpu.memory_space<vmem>> -> memref<12x8x512xf32, #tpu.memory_space<vmem>>
        tpu.wait_dma2 semaphore(%arg11 : memref<!tpu.dma_semaphore, #tpu.memory_space<semaphore_mem>>) src(%dma_wait3A_219 : memref<12x8x512xf32, #tpu.memory_space<vmem>>) dst(%dma_wait3A_214 : memref<12x8x512xf32, #tpu.memory_space<hbm>>)
      } else {
      }
      %parallel_loop3A_168 = arith.constant 0 : i32
      %parallel_loop3A_169 = arith.constant 4096 : i32
      %parallel_loop3A_170 = arith.constant 16 : i32
      scf.for %parallel_loop3A_199 = %parallel_loop3A_168 to %parallel_loop3A_169 step %parallel_loop3A_170  : i32 {
        %parallel_loop3A_200 = arith.constant 512 : i32
        %parallel_loop3A_201 = arith.divsi %parallel_loop3A_199, %parallel_loop3A_200 : i32
        %parallel_loop3A_202 = arith.constant 0 : i32
        %parallel_loop3A_203 = arith.cmpi sgt, %parallel_loop3A_199, %parallel_loop3A_202 : i32
        %parallel_loop3A_204 = arith.extui %parallel_loop3A_203 : i1 to i32
        %parallel_loop3A_205 = arith.constant 0 : i32
        %parallel_loop3A_206 = arith.cmpi slt, %parallel_loop3A_199, %parallel_loop3A_205 : i32
        %parallel_loop3A_207 = arith.extui %parallel_loop3A_206 : i1 to i32
        %parallel_loop3A_208 = arith.subi %parallel_loop3A_204, %parallel_loop3A_207 : i32
        %parallel_loop3A_209 = arith.constant 0 : i32
        %parallel_loop3A_210 = arith.cmpi sgt, %parallel_loop3A_200, %parallel_loop3A_209 : i32
        %parallel_loop3A_211 = arith.extui %parallel_loop3A_210 : i1 to i32
        %parallel_loop3A_212 = arith.constant 0 : i32
        %parallel_loop3A_213 = arith.cmpi slt, %parallel_loop3A_200, %parallel_loop3A_212 : i32
        %parallel_loop3A_214 = arith.extui %parallel_loop3A_213 : i1 to i32
        %parallel_loop3A_215 = arith.subi %parallel_loop3A_211, %parallel_loop3A_214 : i32
        %parallel_loop3A_216 = arith.cmpi ne, %parallel_loop3A_208, %parallel_loop3A_215 : i32
        %parallel_loop3A_217 = arith.remsi %parallel_loop3A_199, %parallel_loop3A_200 : i32
        %parallel_loop3A_218 = arith.constant 0 : i32
        %parallel_loop3A_219 = arith.cmpi ne, %parallel_loop3A_217, %parallel_loop3A_218 : i32
        %parallel_loop3A_220 = arith.andi %parallel_loop3A_216, %parallel_loop3A_219 : i1
        %parallel_loop3A_221 = arith.constant 1 : i32
        %parallel_loop3A_222 = arith.subi %parallel_loop3A_201, %parallel_loop3A_221 : i32
        %parallel_loop3A_223 = arith.select %parallel_loop3A_220, %parallel_loop3A_222, %parallel_loop3A_201 : i32
        %parallel_loop3A_224 = arith.constant 512 : i32
        %parallel_loop3A_225 = arith.muli %parallel_loop3A_223, %parallel_loop3A_224 : i32
        %parallel_loop3A_226 = arith.subi %parallel_loop3A_199, %parallel_loop3A_225 : i32
        %parallel_loop3A_227 = arith.constant 1 : i32
        %parallel_loop3A_228 = arith.index_cast %parallel_loop3A_227 : i32 to index
        %parallel_loop3A_229 = arith.index_cast %parallel_loop3A_199 : i32 to index
        %parallel_loop3A_230 = tpu.vector_load %arg6[%parallel_loop3A_228, %parallel_loop3A_229] {strides = array<i32>} : memref<2x4096xi32, #tpu.memory_space<vmem>>, vector<16xi32>,
        %parallel_loop3A_231 = arith.constant 0 : i32
        %parallel_loop3A_232 = tpu.memref_slice %arg5[%parallel_loop3A_231] : memref<12288xf32, #tpu.memory_space<vmem>> -> memref<1024xf32, #tpu.memory_space<vmem>>
        %parallel_loop3A_233 = tpu.vector_load_idx %parallel_loop3A_232[%parallel_loop3A_230] : memref<1024xf32, #tpu.memory_space<vmem>>[vector<16xi32>], vector<16xf32>,
        %parallel_loop3A_234 = arith.constant 1 : i32
        %parallel_loop3A_235 = arith.constant 0 : i32
        %parallel_loop3A_236 = arith.index_cast %parallel_loop3A_234 : i32 to index
        %parallel_loop3A_237 = arith.index_cast %parallel_loop3A_235 : i32 to index
        %parallel_loop3A_238 = arith.index_cast %parallel_loop3A_223 : i32 to index
        %parallel_loop3A_239 = arith.index_cast %parallel_loop3A_226 : i32 to index
        %parallel_loop3A_240 = tpu.vector_load %arg7[%parallel_loop3A_236, %parallel_loop3A_237, %parallel_loop3A_238, %parallel_loop3A_239] {strides = array<i32>} : memref<2x12x8x512xf32, #tpu.memory_space<vmem>>, vector<16xf32>,
        tpu.vector_store %arg7[%parallel_loop3A_236, %parallel_loop3A_237, %parallel_loop3A_238, %parallel_loop3A_239], %parallel_loop3A_233 {strides = array<i32>} : memref<2x12x8x512xf32, #tpu.memory_space<vmem>>, vector<16xf32>,
        %parallel_loop3A_241 = arith.constant 1024 : i32
        %parallel_loop3A_242 = tpu.memref_slice %arg5[%parallel_loop3A_241] : memref<12288xf32, #tpu.memory_space<vmem>> -> memref<1024xf32, #tpu.memory_space<vmem>>
        %parallel_loop3A_243 = tpu.vector_load_idx %parallel_loop3A_242[%parallel_loop3A_230] : memref<1024xf32, #tpu.memory_space<vmem>>[vector<16xi32>], vector<16xf32>,
        %parallel_loop3A_244 = arith.constant 1 : i32
        %parallel_loop3A_245 = arith.constant 1 : i32
        %parallel_loop3A_246 = arith.index_cast %parallel_loop3A_244 : i32 to index
        %parallel_loop3A_247 = arith.index_cast %parallel_loop3A_245 : i32 to index
        %parallel_loop3A_248 = arith.index_cast %parallel_loop3A_223 : i32 to index
        %parallel_loop3A_249 = arith.index_cast %parallel_loop3A_226 : i32 to index
        %parallel_loop3A_250 = tpu.vector_load %arg7[%parallel_loop3A_246, %parallel_loop3A_247, %parallel_loop3A_248, %parallel_loop3A_249] {strides = array<i32>} : memref<2x12x8x512xf32, #tpu.memory_space<vmem>>, vector<16xf32>,
        tpu.vector_store %arg7[%parallel_loop3A_246, %parallel_loop3A_247, %parallel_loop3A_248, %parallel_loop3A_249], %parallel_loop3A_243 {strides = array<i32>} : memref<2x12x8x512xf32, #tpu.memory_space<vmem>>, vector<16xf32>,
        %parallel_loop3A_251 = arith.constant 2048 : i32
        %parallel_loop3A_252 = tpu.memref_slice %arg5[%parallel_loop3A_251] : memref<12288xf32, #tpu.memory_space<vmem>> -> memref<1024xf32, #tpu.memory_space<vmem>>
        %parallel_loop3A_253 = tpu.vector_load_idx %parallel_loop3A_252[%parallel_loop3A_230] : memref<1024xf32, #tpu.memory_space<vmem>>[vector<16xi32>], vector<16xf32>,
        %parallel_loop3A_254 = arith.constant 1 : i32
        %parallel_loop3A_255 = arith.constant 2 : i32
        %parallel_loop3A_256 = arith.index_cast %parallel_loop3A_254 : i32 to index
        %parallel_loop3A_257 = arith.index_cast %parallel_loop3A_255 : i32 to index
        %parallel_loop3A_258 = arith.index_cast %parallel_loop3A_223 : i32 to index
        %parallel_loop3A_259 = arith.index_cast %parallel_loop3A_226 : i32 to index
        %parallel_loop3A_260 = tpu.vector_load %arg7[%parallel_loop3A_256, %parallel_loop3A_257, %parallel_loop3A_258, %parallel_loop3A_259] {strides = array<i32>} : memref<2x12x8x512xf32, #tpu.memory_space<vmem>>, vector<16xf32>,
        tpu.vector_store %arg7[%parallel_loop3A_256, %parallel_loop3A_257, %parallel_loop3A_258, %parallel_loop3A_259], %parallel_loop3A_253 {strides = array<i32>} : memref<2x12x8x512xf32, #tpu.memory_space<vmem>>, vector<16xf32>,
        %parallel_loop3A_261 = arith.constant 3072 : i32
        %parallel_loop3A_262 = tpu.memref_slice %arg5[%parallel_loop3A_261] : memref<12288xf32, #tpu.memory_space<vmem>> -> memref<1024xf32, #tpu.memory_space<vmem>>
        %parallel_loop3A_263 = tpu.vector_load_idx %parallel_loop3A_262[%parallel_loop3A_230] : memref<1024xf32, #tpu.memory_space<vmem>>[vector<16xi32>], vector<16xf32>,
        %parallel_loop3A_264 = arith.constant 1 : i32
        %parallel_loop3A_265 = arith.constant 3 : i32
        %parallel_loop3A_266 = arith.index_cast %parallel_loop3A_264 : i32 to index
        %parallel_loop3A_267 = arith.index_cast %parallel_loop3A_265 : i32 to index
        %parallel_loop3A_268 = arith.index_cast %parallel_loop3A_223 : i32 to index
        %parallel_loop3A_269 = arith.index_cast %parallel_loop3A_226 : i32 to index
        %parallel_loop3A_270 = tpu.vector_load %arg7[%parallel_loop3A_266, %parallel_loop3A_267, %parallel_loop3A_268, %parallel_loop3A_269] {strides = array<i32>} : memref<2x12x8x512xf32, #tpu.memory_space<vmem>>, vector<16xf32>,
        tpu.vector_store %arg7[%parallel_loop3A_266, %parallel_loop3A_267, %parallel_loop3A_268, %parallel_loop3A_269], %parallel_loop3A_263 {strides = array<i32>} : memref<2x12x8x512xf32, #tpu.memory_space<vmem>>, vector<16xf32>,
        %parallel_loop3A_271 = arith.constant 4096 : i32
        %parallel_loop3A_272 = tpu.memref_slice %arg5[%parallel_loop3A_271] : memref<12288xf32, #tpu.memory_space<vmem>> -> memref<1024xf32, #tpu.memory_space<vmem>>
        %parallel_loop3A_273 = tpu.vector_load_idx %parallel_loop3A_272[%parallel_loop3A_230] : memref<1024xf32, #tpu.memory_space<vmem>>[vector<16xi32>], vector<16xf32>,
        %parallel_loop3A_274 = arith.constant 1 : i32
        %parallel_loop3A_275 = arith.constant 4 : i32
        %parallel_loop3A_276 = arith.index_cast %parallel_loop3A_274 : i32 to index
        %parallel_loop3A_277 = arith.index_cast %parallel_loop3A_275 : i32 to index
        %parallel_loop3A_278 = arith.index_cast %parallel_loop3A_223 : i32 to index
        %parallel_loop3A_279 = arith.index_cast %parallel_loop3A_226 : i32 to index
        %parallel_loop3A_280 = tpu.vector_load %arg7[%parallel_loop3A_276, %parallel_loop3A_277, %parallel_loop3A_278, %parallel_loop3A_279] {strides = array<i32>} : memref<2x12x8x512xf32, #tpu.memory_space<vmem>>, vector<16xf32>,
        tpu.vector_store %arg7[%parallel_loop3A_276, %parallel_loop3A_277, %parallel_loop3A_278, %parallel_loop3A_279], %parallel_loop3A_273 {strides = array<i32>} : memref<2x12x8x512xf32, #tpu.memory_space<vmem>>, vector<16xf32>,
        %parallel_loop3A_281 = arith.constant 5120 : i32
        %parallel_loop3A_282 = tpu.memref_slice %arg5[%parallel_loop3A_281] : memref<12288xf32, #tpu.memory_space<vmem>> -> memref<1024xf32, #tpu.memory_space<vmem>>
        %parallel_loop3A_283 = tpu.vector_load_idx %parallel_loop3A_282[%parallel_loop3A_230] : memref<1024xf32, #tpu.memory_space<vmem>>[vector<16xi32>], vector<16xf32>,
        %parallel_loop3A_284 = arith.constant 1 : i32
        %parallel_loop3A_285 = arith.constant 5 : i32
        %parallel_loop3A_286 = arith.index_cast %parallel_loop3A_284 : i32 to index
        %parallel_loop3A_287 = arith.index_cast %parallel_loop3A_285 : i32 to index
        %parallel_loop3A_288 = arith.index_cast %parallel_loop3A_223 : i32 to index
        %parallel_loop3A_289 = arith.index_cast %parallel_loop3A_226 : i32 to index
        %parallel_loop3A_290 = tpu.vector_load %arg7[%parallel_loop3A_286, %parallel_loop3A_287, %parallel_loop3A_288, %parallel_loop3A_289] {strides = array<i32>} : memref<2x12x8x512xf32, #tpu.memory_space<vmem>>, vector<16xf32>,
        tpu.vector_store %arg7[%parallel_loop3A_286, %parallel_loop3A_287, %parallel_loop3A_288, %parallel_loop3A_289], %parallel_loop3A_283 {strides = array<i32>} : memref<2x12x8x512xf32, #tpu.memory_space<vmem>>, vector<16xf32>,
        %parallel_loop3A_291 = arith.constant 6144 : i32
        %parallel_loop3A_292 = tpu.memref_slice %arg5[%parallel_loop3A_291] : memref<12288xf32, #tpu.memory_space<vmem>> -> memref<1024xf32, #tpu.memory_space<vmem>>
        %parallel_loop3A_293 = tpu.vector_load_idx %parallel_loop3A_292[%parallel_loop3A_230] : memref<1024xf32, #tpu.memory_space<vmem>>[vector<16xi32>], vector<16xf32>,
        %parallel_loop3A_294 = arith.constant 1 : i32
        %parallel_loop3A_295 = arith.constant 6 : i32
        %parallel_loop3A_296 = arith.index_cast %parallel_loop3A_294 : i32 to index
        %parallel_loop3A_297 = arith.index_cast %parallel_loop3A_295 : i32 to index
        %parallel_loop3A_298 = arith.index_cast %parallel_loop3A_223 : i32 to index
        %parallel_loop3A_299 = arith.index_cast %parallel_loop3A_226 : i32 to index
        %parallel_loop3A_300 = tpu.vector_load %arg7[%parallel_loop3A_296, %parallel_loop3A_297, %parallel_loop3A_298, %parallel_loop3A_299] {strides = array<i32>} : memref<2x12x8x512xf32, #tpu.memory_space<vmem>>, vector<16xf32>,
        tpu.vector_store %arg7[%parallel_loop3A_296, %parallel_loop3A_297, %parallel_loop3A_298, %parallel_loop3A_299], %parallel_loop3A_293 {strides = array<i32>} : memref<2x12x8x512xf32, #tpu.memory_space<vmem>>, vector<16xf32>,
        %parallel_loop3A_301 = arith.constant 7168 : i32
        %parallel_loop3A_302 = tpu.memref_slice %arg5[%parallel_loop3A_301] : memref<12288xf32, #tpu.memory_space<vmem>> -> memref<1024xf32, #tpu.memory_space<vmem>>
        %parallel_loop3A_303 = tpu.vector_load_idx %parallel_loop3A_302[%parallel_loop3A_230] : memref<1024xf32, #tpu.memory_space<vmem>>[vector<16xi32>], vector<16xf32>,
        %parallel_loop3A_304 = arith.constant 1 : i32
        %parallel_loop3A_305 = arith.constant 7 : i32
        %parallel_loop3A_306 = arith.index_cast %parallel_loop3A_304 : i32 to index
        %parallel_loop3A_307 = arith.index_cast %parallel_loop3A_305 : i32 to index
        %parallel_loop3A_308 = arith.index_cast %parallel_loop3A_223 : i32 to index
        %parallel_loop3A_309 = arith.index_cast %parallel_loop3A_226 : i32 to index
        %parallel_loop3A_310 = tpu.vector_load %arg7[%parallel_loop3A_306, %parallel_loop3A_307, %parallel_loop3A_308, %parallel_loop3A_309] {strides = array<i32>} : memref<2x12x8x512xf32, #tpu.memory_space<vmem>>, vector<16xf32>,
        tpu.vector_store %arg7[%parallel_loop3A_306, %parallel_loop3A_307, %parallel_loop3A_308, %parallel_loop3A_309], %parallel_loop3A_303 {strides = array<i32>} : memref<2x12x8x512xf32, #tpu.memory_space<vmem>>, vector<16xf32>,
        %parallel_loop3A_311 = arith.constant 8192 : i32
        %parallel_loop3A_312 = tpu.memref_slice %arg5[%parallel_loop3A_311] : memref<12288xf32, #tpu.memory_space<vmem>> -> memref<1024xf32, #tpu.memory_space<vmem>>
        %parallel_loop3A_313 = tpu.vector_load_idx %parallel_loop3A_312[%parallel_loop3A_230] : memref<1024xf32, #tpu.memory_space<vmem>>[vector<16xi32>], vector<16xf32>,
        %parallel_loop3A_314 = arith.constant 1 : i32
        %parallel_loop3A_315 = arith.constant 8 : i32
        %parallel_loop3A_316 = arith.index_cast %parallel_loop3A_314 : i32 to index
        %parallel_loop3A_317 = arith.index_cast %parallel_loop3A_315 : i32 to index
        %parallel_loop3A_318 = arith.index_cast %parallel_loop3A_223 : i32 to index
        %parallel_loop3A_319 = arith.index_cast %parallel_loop3A_226 : i32 to index
        %parallel_loop3A_320 = tpu.vector_load %arg7[%parallel_loop3A_316, %parallel_loop3A_317, %parallel_loop3A_318, %parallel_loop3A_319] {strides = array<i32>} : memref<2x12x8x512xf32, #tpu.memory_space<vmem>>, vector<16xf32>,
        tpu.vector_store %arg7[%parallel_loop3A_316, %parallel_loop3A_317, %parallel_loop3A_318, %parallel_loop3A_319], %parallel_loop3A_313 {strides = array<i32>} : memref<2x12x8x512xf32, #tpu.memory_space<vmem>>, vector<16xf32>,
        %parallel_loop3A_321 = arith.constant 9216 : i32
        %parallel_loop3A_322 = tpu.memref_slice %arg5[%parallel_loop3A_321] : memref<12288xf32, #tpu.memory_space<vmem>> -> memref<1024xf32, #tpu.memory_space<vmem>>
        %parallel_loop3A_323 = tpu.vector_load_idx %parallel_loop3A_322[%parallel_loop3A_230] : memref<1024xf32, #tpu.memory_space<vmem>>[vector<16xi32>], vector<16xf32>,
        %parallel_loop3A_324 = arith.constant 1 : i32
        %parallel_loop3A_325 = arith.constant 9 : i32
        %parallel_loop3A_326 = arith.index_cast %parallel_loop3A_324 : i32 to index
        %parallel_loop3A_327 = arith.index_cast %parallel_loop3A_325 : i32 to index
        %parallel_loop3A_328 = arith.index_cast %parallel_loop3A_223 : i32 to index
        %parallel_loop3A_329 = arith.index_cast %parallel_loop3A_226 : i32 to index
        %parallel_loop3A_330 = tpu.vector_load %arg7[%parallel_loop3A_326, %parallel_loop3A_327, %parallel_loop3A_328, %parallel_loop3A_329] {strides = array<i32>} : memref<2x12x8x512xf32, #tpu.memory_space<vmem>>, vector<16xf32>,
        tpu.vector_store %arg7[%parallel_loop3A_326, %parallel_loop3A_327, %parallel_loop3A_328, %parallel_loop3A_329], %parallel_loop3A_323 {strides = array<i32>} : memref<2x12x8x512xf32, #tpu.memory_space<vmem>>, vector<16xf32>,
        %parallel_loop3A_331 = arith.constant 10240 : i32
        %parallel_loop3A_332 = tpu.memref_slice %arg5[%parallel_loop3A_331] : memref<12288xf32, #tpu.memory_space<vmem>> -> memref<1024xf32, #tpu.memory_space<vmem>>
        %parallel_loop3A_333 = tpu.vector_load_idx %parallel_loop3A_332[%parallel_loop3A_230] : memref<1024xf32, #tpu.memory_space<vmem>>[vector<16xi32>], vector<16xf32>,
        %parallel_loop3A_334 = arith.constant 1 : i32
        %parallel_loop3A_335 = arith.constant 10 : i32
        %parallel_loop3A_336 = arith.index_cast %parallel_loop3A_334 : i32 to index
        %parallel_loop3A_337 = arith.index_cast %parallel_loop3A_335 : i32 to index
        %parallel_loop3A_338 = arith.index_cast %parallel_loop3A_223 : i32 to index
        %parallel_loop3A_339 = arith.index_cast %parallel_loop3A_226 : i32 to index
        %parallel_loop3A_340 = tpu.vector_load %arg7[%parallel_loop3A_336, %parallel_loop3A_337, %parallel_loop3A_338, %parallel_loop3A_339] {strides = array<i32>} : memref<2x12x8x512xf32, #tpu.memory_space<vmem>>, vector<16xf32>,
        tpu.vector_store %arg7[%parallel_loop3A_336, %parallel_loop3A_337, %parallel_loop3A_338, %parallel_loop3A_339], %parallel_loop3A_333 {strides = array<i32>} : memref<2x12x8x512xf32, #tpu.memory_space<vmem>>, vector<16xf32>,
        %parallel_loop3A_341 = arith.constant 11264 : i32
        %parallel_loop3A_342 = tpu.memref_slice %arg5[%parallel_loop3A_341] : memref<12288xf32, #tpu.memory_space<vmem>> -> memref<1024xf32, #tpu.memory_space<vmem>>
        %parallel_loop3A_343 = tpu.vector_load_idx %parallel_loop3A_342[%parallel_loop3A_230] : memref<1024xf32, #tpu.memory_space<vmem>>[vector<16xi32>], vector<16xf32>,
        %parallel_loop3A_344 = arith.constant 1 : i32
        %parallel_loop3A_345 = arith.constant 11 : i32
        %parallel_loop3A_346 = arith.index_cast %parallel_loop3A_344 : i32 to index
        %parallel_loop3A_347 = arith.index_cast %parallel_loop3A_345 : i32 to index
        %parallel_loop3A_348 = arith.index_cast %parallel_loop3A_223 : i32 to index
        %parallel_loop3A_349 = arith.index_cast %parallel_loop3A_226 : i32 to index
        %parallel_loop3A_350 = tpu.vector_load %arg7[%parallel_loop3A_346, %parallel_loop3A_347, %parallel_loop3A_348, %parallel_loop3A_349] {strides = array<i32>} : memref<2x12x8x512xf32, #tpu.memory_space<vmem>>, vector<16xf32>,
        tpu.vector_store %arg7[%parallel_loop3A_346, %parallel_loop3A_347, %parallel_loop3A_348, %parallel_loop3A_349], %parallel_loop3A_343 {strides = array<i32>} : memref<2x12x8x512xf32, #tpu.memory_space<vmem>>, vector<16xf32>,
      } {sc.loop_unroll_factor = 4 : i64, sc.parallel_access}
      %mul3A_171 = arith.constant 12 : i32
      %mul3A_172 = arith.muli %select_n3A_30, %mul3A_171 : i32
      %mul3A_173 = arith.constant 8 : i32
      %mul3A_174 = arith.muli %add3A_153, %mul3A_173 : i32
      %dma_start3A_175 = arith.constant 1 : i32
      %dma_start3A_176 = arith.constant 0 : i32
      %dma_start3A_177 = arith.constant 0 : i32
      %dma_start3A_178 = arith.constant 0 : i32
      %dma_start3A_179 = tpu.memref_slice %arg7[%dma_start3A_175, %dma_start3A_176, %dma_start3A_177, %dma_start3A_178] : memref<2x12x8x512xf32, #tpu.memory_space<vmem>> -> memref<1x12x8x512xf32, #tpu.memory_space<vmem>>
      %dma_start3A_180 = tpu.memref_squeeze %dma_start3A_179 : memref<1x12x8x512xf32, #tpu.memory_space<vmem>> -> memref<12x8x512xf32, #tpu.memory_space<vmem>>
      %dma_start3A_181 = arith.constant 0 : i32
      %dma_start3A_182 = tpu.memref_slice %arg4[%select_n3A, %mul3A_172, %mul3A_174, %dma_start3A_181] : memref<4x96x512x512xf32, #tpu.memory_space<hbm>> -> memref<1x12x8x512xf32, #tpu.memory_space<hbm>>
      %dma_start3A_183 = tpu.memref_squeeze %dma_start3A_182 : memref<1x12x8x512xf32, #tpu.memory_space<hbm>> -> memref<12x8x512xf32, #tpu.memory_space<hbm>>
      %dma_start3A_184 = arith.constant 0 : i32
      %dma_start3A_185 = tpu.memref_slice %arg4[%select_n3A, %mul3A_172, %mul3A_174, %dma_start3A_184] : memref<4x96x512x512xf32, #tpu.memory_space<hbm>> -> memref<1x12x8x512xf32, #tpu.memory_space<hbm>>
      %dma_start3A_186 = tpu.memref_squeeze %dma_start3A_185 : memref<1x12x8x512xf32, #tpu.memory_space<hbm>> -> memref<12x8x512xf32, #tpu.memory_space<hbm>>
      %dma_start3A_187 = arith.constant 0 : i32
      %dma_start3A_188 = arith.constant 0 : i32
      %dma_start3A_189 = arith.constant 0 : i32
      %dma_start3A_190 = tpu.memref_slice %arg7[%dma_start3A_175, %dma_start3A_187, %dma_start3A_188, %dma_start3A_189] : memref<2x12x8x512xf32, #tpu.memory_space<vmem>> -> memref<1x12x8x512xf32, #tpu.memory_space<vmem>>
      %dma_start3A_191 = tpu.memref_squeeze %dma_start3A_190 : memref<1x12x8x512xf32, #tpu.memory_space<vmem>> -> memref<12x8x512xf32, #tpu.memory_space<vmem>>
      tpu.enqueue_dma source(%dma_start3A_191 : memref<12x8x512xf32, #tpu.memory_space<vmem>>) target(%dma_start3A_186 : memref<12x8x512xf32, #tpu.memory_space<hbm>>) target_semaphore(%arg11 : memref<!tpu.dma_semaphore, #tpu.memory_space<semaphore_mem>>)
      %add3A_192 = arith.constant 2 : i32
      %add3A_193 = arith.addi %add3A_153, %add3A_192 : i32
      %lt3A_194 = arith.constant 64 : i32
      %lt3A_195 = arith.cmpi slt, %add3A_193, %lt3A_194 : i32
      %convert_element_type3A_196 = arith.extui %lt3A_195 : i1 to i32
      %cond3A_197 = arith.constant 0 : i32
      %cond3A_198 = arith.cmpi ne, %convert_element_type3A_196, %cond3A_197 : i32
      scf.if %cond3A_198 {
        %add3A_199 = arith.constant 2 : i32
        %add3A_200 = arith.addi %add3A_153, %add3A_199 : i32
        %mul3A_201 = arith.constant 4096 : i32
        %mul3A_202 = arith.muli %add3A_200, %mul3A_201 : i32
        %add3A_203 = arith.addi %mul3A_39, %mul3A_202 : i32
        %dma_start3A_204 = arith.constant 1 : i32
        %dma_start3A_205 = arith.constant 0 : i32
        %dma_start3A_206 = tpu.memref_slice %arg6[%dma_start3A_204, %dma_start3A_205] : memref<2x4096xi32, #tpu.memory_space<vmem>> -> memref<1x4096xi32, #tpu.memory_space<vmem>>
        %dma_start3A_207 = tpu.memref_squeeze %dma_start3A_206 : memref<1x4096xi32, #tpu.memory_space<vmem>> -> memref<4096xi32, #tpu.memory_space<vmem>>
        %dma_start3A_208 = tpu.memref_slice %arg3[%add3A_203] : memref<1048576xi32, #tpu.memory_space<hbm>> -> memref<4096xi32, #tpu.memory_space<hbm>>
        %dma_start3A_209 = arith.constant 0 : i32
        %dma_start3A_210 = tpu.memref_slice %arg6[%dma_start3A_204, %dma_start3A_209] : memref<2x4096xi32, #tpu.memory_space<vmem>> -> memref<1x4096xi32, #tpu.memory_space<vmem>>
        %dma_start3A_211 = tpu.memref_squeeze %dma_start3A_210 : memref<1x4096xi32, #tpu.memory_space<vmem>> -> memref<4096xi32, #tpu.memory_space<vmem>>
        %dma_start3A_212 = tpu.memref_slice %arg3[%add3A_203] : memref<1048576xi32, #tpu.memory_space<hbm>> -> memref<4096xi32, #tpu.memory_space<hbm>>
        tpu.enqueue_dma source(%dma_start3A_212 : memref<4096xi32, #tpu.memory_space<hbm>>) target(%dma_start3A_211 : memref<4096xi32, #tpu.memory_space<vmem>>) target_semaphore(%arg9 : memref<!tpu.dma_semaphore, #tpu.memory_space<semaphore_mem>>)
      } else {
      }
    }
    %scan3A_64 = arith.constant 32 : i32
    %mul3A_65 = arith.constant 12 : i32
    %mul3A_66 = arith.muli %select_n3A_30, %mul3A_65 : i32
    %dma_wait3A = arith.constant 0 : i32
    %dma_wait3A_67 = arith.constant 0 : i32
    %dma_wait3A_68 = arith.constant 0 : i32
    %dma_wait3A_69 = arith.constant 0 : i32
    %dma_wait3A_70 = tpu.memref_slice %arg7[%dma_wait3A, %dma_wait3A_67, %dma_wait3A_68, %dma_wait3A_69] : memref<2x12x8x512xf32, #tpu.memory_space<vmem>> -> memref<1x12x8x512xf32, #tpu.memory_space<vmem>>
    %dma_wait3A_71 = tpu.memref_squeeze %dma_wait3A_70 : memref<1x12x8x512xf32, #tpu.memory_space<vmem>> -> memref<12x8x512xf32, #tpu.memory_space<vmem>>
    %dma_wait3A_72 = arith.constant 0 : i32
    %dma_wait3A_73 = arith.constant 0 : i32
    %dma_wait3A_74 = tpu.memref_slice %arg4[%select_n3A, %mul3A_66, %dma_wait3A_72, %dma_wait3A_73] : memref<4x96x512x512xf32, #tpu.memory_space<hbm>> -> memref<1x12x8x512xf32, #tpu.memory_space<hbm>>
    %dma_wait3A_75 = tpu.memref_squeeze %dma_wait3A_74 : memref<1x12x8x512xf32, #tpu.memory_space<hbm>> -> memref<12x8x512xf32, #tpu.memory_space<hbm>>
    %dma_wait3A_76 = arith.constant 0 : i32
    %dma_wait3A_77 = arith.constant 0 : i32
    %dma_wait3A_78 = tpu.memref_slice %arg4[%select_n3A, %mul3A_66, %dma_wait3A_76, %dma_wait3A_77] : memref<4x96x512x512xf32, #tpu.memory_space<hbm>> -> memref<1x12x8x512xf32, #tpu.memory_space<hbm>>
    %dma_wait3A_79 = tpu.memref_squeeze %dma_wait3A_78 : memref<1x12x8x512xf32, #tpu.memory_space<hbm>> -> memref<12x8x512xf32, #tpu.memory_space<hbm>>
    %dma_wait3A_80 = arith.constant 0 : i32
    %dma_wait3A_81 = arith.constant 0 : i32
    %dma_wait3A_82 = arith.constant 0 : i32
    %dma_wait3A_83 = tpu.memref_slice %arg7[%dma_wait3A, %dma_wait3A_80, %dma_wait3A_81, %dma_wait3A_82] : memref<2x12x8x512xf32, #tpu.memory_space<vmem>> -> memref<1x12x8x512xf32, #tpu.memory_space<vmem>>
    %dma_wait3A_84 = tpu.memref_squeeze %dma_wait3A_83 : memref<1x12x8x512xf32, #tpu.memory_space<vmem>> -> memref<12x8x512xf32, #tpu.memory_space<vmem>>
    tpu.wait_dma2 semaphore(%arg10 : memref<!tpu.dma_semaphore, #tpu.memory_space<semaphore_mem>>) src(%dma_wait3A_84 : memref<12x8x512xf32, #tpu.memory_space<vmem>>) dst(%dma_wait3A_79 : memref<12x8x512xf32, #tpu.memory_space<hbm>>)
    %mul3A_85 = arith.constant 12 : i32
    %mul3A_86 = arith.muli %select_n3A_30, %mul3A_85 : i32
    %dma_wait3A_87 = arith.constant 1 : i32
    %dma_wait3A_88 = arith.constant 0 : i32
    %dma_wait3A_89 = arith.constant 0 : i32
    %dma_wait3A_90 = arith.constant 0 : i32
    %dma_wait3A_91 = tpu.memref_slice %arg7[%dma_wait3A_87, %dma_wait3A_88, %dma_wait3A_89, %dma_wait3A_90] : memref<2x12x8x512xf32, #tpu.memory_space<vmem>> -> memref<1x12x8x512xf32, #tpu.memory_space<vmem>>
    %dma_wait3A_92 = tpu.memref_squeeze %dma_wait3A_91 : memref<1x12x8x512xf32, #tpu.memory_space<vmem>> -> memref<12x8x512xf32, #tpu.memory_space<vmem>>
    %dma_wait3A_93 = arith.constant 0 : i32
    %dma_wait3A_94 = arith.constant 0 : i32
    %dma_wait3A_95 = tpu.memref_slice %arg4[%select_n3A, %mul3A_86, %dma_wait3A_93, %dma_wait3A_94] : memref<4x96x512x512xf32, #tpu.memory_space<hbm>> -> memref<1x12x8x512xf32, #tpu.memory_space<hbm>>
    %dma_wait3A_96 = tpu.memref_squeeze %dma_wait3A_95 : memref<1x12x8x512xf32, #tpu.memory_space<hbm>> -> memref<12x8x512xf32, #tpu.memory_space<hbm>>
    %dma_wait3A_97 = arith.constant 0 : i32
    %dma_wait3A_98 = arith.constant 0 : i32
    %dma_wait3A_99 = tpu.memref_slice %arg4[%select_n3A, %mul3A_86, %dma_wait3A_97, %dma_wait3A_98] : memref<4x96x512x512xf32, #tpu.memory_space<hbm>> -> memref<1x12x8x512xf32, #tpu.memory_space<hbm>>
    %dma_wait3A_100 = tpu.memref_squeeze %dma_wait3A_99 : memref<1x12x8x512xf32, #tpu.memory_space<hbm>> -> memref<12x8x512xf32, #tpu.memory_space<hbm>>
    %dma_wait3A_101 = arith.constant 0 : i32
    %dma_wait3A_102 = arith.constant 0 : i32
    %dma_wait3A_103 = arith.constant 0 : i32
    %dma_wait3A_104 = tpu.memref_slice %arg7[%dma_wait3A_87, %dma_wait3A_101, %dma_wait3A_102, %dma_wait3A_103] : memref<2x12x8x512xf32, #tpu.memory_space<vmem>> -> memref<1x12x8x512xf32, #tpu.memory_space<vmem>>
    %dma_wait3A_105 = tpu.memref_squeeze %dma_wait3A_104 : memref<1x12x8x512xf32, #tpu.memory_space<vmem>> -> memref<12x8x512xf32, #tpu.memory_space<vmem>>
    tpu.wait_dma2 semaphore(%arg11 : memref<!tpu.dma_semaphore, #tpu.memory_space<semaphore_mem>>) src(%dma_wait3A_105 : memref<12x8x512xf32, #tpu.memory_space<vmem>>) dst(%dma_wait3A_100 : memref<12x8x512xf32, #tpu.memory_space<hbm>>)
    return
  }
}

</mosaic_0001>

<sc_bundles>
// kernel: kernel.3.cloned.1.call-start
scs
__scs_entry_jumppad:
0x0: {  	(pc) =	sbr.rel $0x88, $3  }
0x1: {  	(tag) =	ssettag $0x0;
	lr =	simm.s32 $0x1  }
0x2: {  	[smem:$0x3F9F] =	sst lr;
	_ =	strace $0xD0000000  }
0x3: {  	_ = 	snop  }
0x4: {  	_ = 	snop  }
0x5: {  	_ = 	snop  }
0x6: {  	_ = 	snop  }
0x7: {  	_ = 	snop  }
__scs_overlays_trampoline_lowered:
0x8: {  	[smem:$0x3FAE] =	sst s0  }
0x9: {  	[smem:$0x3FAF] =	sst s1  }
0xa: {  	[smem:$0x3FB0] =	sst s2  }
0xb: {  	[smem:$0x3FB1] =	sst s3  }
0xc: {  	[smem:$0x3FB2] =	sst s4  }
0xd: {  	[smem:$0x3FB3] =	sst s5  }
0xe: {  	[smem:$0x3FB4] =	sst s6  }
0xf: {  	[smem:$0x3FB5] =	sst s7  }
0x10: {  	[smem:$0x3FB6] =	sst s8  }
0x11: {  	[smem:$0x3FB7] =	sst s9;
	s0 =	simm.s32 @!p0 $0x0  }
0x12: {  	s1 =	sld [smem:$0x3F9D];
	s0 =	simm.s32 @p0 $0x1  }
0x13: {  	[smem:$0x3FB8] =	sst s0;
	s0 =	simm.s32 @!p1 $0x0  }
0x14: {  	s2 =	sld [smem:$0x3F9C];
	s0 =	simm.s32 @p1 $0x1  }
0x15: {  	[smem:$0x3FB9] =	sst s0;
	s0 =	simm.s32 @!p2 $0x0  }
0x16: {  	s3 =	sld [smem:$0x3FDB];
	s0 =	simm.s32 @p2 $0x1  }
0x17: {  	s4 =	simm.s32 $0x1BF5;
	[smem:$0x3FBB] =	sst s0  }
0x18: {  	s0 =	sld [smem:$0x3F9E];
	_ =	swait.ge [sflag:s4], $0x0  }
0x19: {  	s7 =	sld [smem:$0x3F9F]  }
0x1a: {  	s8 =	sadd.s32 $0xFFFFE003, lr  }
0x1b: {  	s9 =	sadd.s32 $0xFFFFFEF7, lr;
	s5 =	simm.s32 $0xFFFFFFFF;
	p2 =	slt.u32 s8, $0xFFFFF086  }
0x1c: {  	p1 =	slt.u32 s9, $0xF7A;
	s5 =	simm.s32 @!p2 $0x0  }
0x1d: {  	s5 =	simm.s32 @p1 $0x1;
	p0 =	seq.s32 s7, s2  }
0x1e: {  	s7 =	smul.u32 @!p0 $0xF7A, s2;
	p2 =	seq.s32 @!p0 s5, $0x0  }
0x1f: {  	s9 =	smul.u32 $0xF7A, s1;
	s8 =	simm.s32 @!p0 $0x1BF5;
	p2 =	por !p2, p0  }
0x20: {  	[sflag:s8] =	ssyncset.s32 @!p0 $0xFFFFF086;
	s6 =	sadd.s32 @!p0 s3, s7;
	s7 =	simm.s32 @!p0 $0x108  }
0x21: {  	s3 =	sadd.s32 s3, s9;
	s6 =	sadd.s32 @!p0 $0x88, s6;
	s7 =	simm.s32 @p2 $0x1082  }
0x22: {  	[simem:s7], [sflag:s8] =	dma.local @!p0 [hbm:s6], $0xF7A  }
0x23: {  	s9 =	sor.u32 $0xD0000000, s2;
	s6 =	simm.s32 $0x108;
	_ =	swait.ge @!p0 [sflag:s8], $0x0  }
0x24: {  	s3 =	sadd.s32 $0x88, s3;
	s6 =	simm.s32 @!p1 $0x1082;
	[sflag:s4] =	ssyncset.s32 $0xFFFFF086  }
0x25: {  	[simem:s6], [sflag:s4] =	dma.local [hbm:s3], $0xF7A  }
0x26: {  	[smem:$0x3F9F] =	sst s1;
	(tag) =	ssettag s2;
	_ =	strace s9  }
0x27: {  	s1 =	sld [smem:$0x3FAF]  }
0x28: {  	s2 =	sld [smem:$0x3FB0]  }
0x29: {  	s4 =	sld [smem:$0x3FB2]  }
0x2a: {  	p0 =	seq.s32 s5, $0x0;
	s5 =	sld [smem:$0x3FB3]  }
0x2b: {  	s6 =	sld [smem:$0x3FB4]  }
0x2c: {  	s7 =	sld [smem:$0x3FB5]  }
0x2d: {  	s3 =	simm.s32 $0x108;
	s8 =	sld [smem:$0x3FB6]  }
0x2e: {  	s3 =	simm.s32 @!p0 $0x1082;
	s9 =	sld [smem:$0x3FB7]  }
0x2f: {  	lr =	sadd.s32 s0, s3;
	s0 =	sld [smem:$0x3FAE]  }
0x30: {  	s3 =	sld [smem:$0x3FB1]  }
0x31: {  	[smem:$0x3FBA] =	sst s10  }
0x32: {  	s10 =	sld [smem:$0x3FB8];
	_ =	sdelay $0x3  }
0x33: {  	p0 =	seq.s32 s10, $0x1;
	s10 =	sld [smem:$0x3FBA];
	_ =	sdelay $0x3  }
0x34: {  	[smem:$0x3FBA] =	sst s10  }
0x35: {  	s10 =	sld [smem:$0x3FB9];
	_ =	sdelay $0x3  }
0x36: {  	p1 =	seq.s32 s10, $0x1;
	s10 =	sld [smem:$0x3FBA];
	_ =	sdelay $0x3  }
0x37: {  	[smem:$0x3FBA] =	sst s10  }
0x38: {  	s10 =	sld [smem:$0x3FBB]  }
0x39: {  	_ = 	snop;
	(pc) =	sbr.ind lr, $3  }
0x3a: {  	_ = 	snop  }
0x3b: {  	_ = 	snop  }
0x3c: {  	p2 =	seq.s32 s10, $0x1;
	s10 =	sld [smem:$0x3FBA]  }
0x3d: {  	_ =	shalt  }
0x3e: {  	_ =	shalt  }
0x3f: {  	_ =	shalt  }
0x40: {  	_ =	shalt  }
0x41: {  	_ =	shalt  }
0x42: {  	_ =	shalt  }
0x43: {  	_ =	shalt  }
0x44: {  	_ =	shalt  }
0x45: {  	_ =	shalt  }
0x46: {  	_ =	shalt  }
0x47: {  	_ =	shalt  }
0x48: {  	_ =	shalt  }
0x49: {  	_ =	shalt  }
0x4a: {  	_ =	shalt  }
0x4b: {  	_ =	shalt  }
0x4c: {  	_ =	shalt  }
0x4d: {  	_ =	shalt  }
0x4e: {  	_ =	shalt  }
0x4f: {  	_ =	shalt  }
0x50: {  	_ =	shalt  }
0x51: {  	_ =	shalt  }
0x52: {  	_ =	shalt  }
0x53: {  	_ =	shalt  }
0x54: {  	_ =	shalt  }
0x55: {  	_ =	shalt  }
0x56: {  	_ =	shalt  }
0x57: {  	_ =	shalt  }
0x58: {  	_ =	shalt  }
0x59: {  	_ =	shalt  }
0x5a: {  	_ =	shalt  }
0x5b: {  	_ =	shalt  }
0x5c: {  	_ =	shalt  }
0x5d: {  	_ =	shalt  }
0x5e: {  	_ =	shalt  }
0x5f: {  	_ =	shalt  }
0x60: {  	_ =	shalt  }
0x61: {  	_ =	shalt  }
0x62: {  	_ =	shalt  }
0x63: {  	_ =	shalt  }
0x64: {  	_ =	shalt  }
0x65: {  	_ =	shalt  }
0x66: {  	_ =	shalt  }
0x67: {  	_ =	shalt  }
0x68: {  	_ =	shalt  }
0x69: {  	_ =	shalt  }
0x6a: {  	_ =	shalt  }
0x6b: {  	_ =	shalt  }
0x6c: {  	_ =	shalt  }
0x6d: {  	_ =	shalt  }
0x6e: {  	_ =	shalt  }
0x6f: {  	_ =	shalt  }
0x70: {  	_ =	shalt  }
0x71: {  	_ =	shalt  }
0x72: {  	_ =	shalt  }
0x73: {  	_ =	shalt  }
0x74: {  	_ =	shalt  }
0x75: {  	_ =	shalt  }
0x76: {  	_ =	shalt  }
0x77: {  	_ =	shalt  }
0x78: {  	_ =	shalt  }
0x79: {  	_ =	shalt  }
0x7a: {  	_ =	shalt  }
0x7b: {  	_ =	shalt  }
0x7c: {  	_ =	shalt  }
0x7d: {  	_ =	shalt  }
0x7e: {  	_ =	shalt  }
0x7f: {  	_ =	shalt  }
0x80: {  	_ =	shalt  }
0x81: {  	_ =	shalt  }
0x82: {  	_ =	shalt  }
0x83: {  	_ =	shalt  }
0x84: {  	_ =	shalt  }
0x85: {  	_ =	shalt  }
0x86: {  	_ =	shalt  }
0x87: {  	_ =	shalt  }
.Lfunc_end0:
.L_simem_size_0:
called_computation_lowered:
.L_overlay_start_0:
0x88: {  	s2 =	sld [smem:$0x3FD9]  }
0x89: {  	s3 =	sld [smem:$0x3FFE];
	_ =	sdelay $0x1  }
0x8a: {  	s1 =	srdreg.scid  }
0x8b: {  	s0 =	sand.u32 $0x1, s1  }
0x8c: {  	s17 =	sshll.u32 s0, $0xA;
	s2 =	sadd.s32 s3, s2  }
0x8d: {  	s2 =	sadd.s32 s2, s17  }
0x8e: {  	[smem:$0x3FC6] =	sst s2  }
0x8f: {  	_ = 	snop  }
0x90: {  	s2 =	sld [smem:$0x3FD0];
	(tm) =	ssettm $0x1  }
0x91: {  	s18 =	sld [smem:$0x3FFB];
	_ =	sdelay $0x3  }
0x92: {  	_ =	strace s18  }
0x93: {  	s3 =	sld [smem:$0x3FFC];
	_ =	sdelay $0x3  }
0x94: {  	_ =	strace s3  }
0x95: {  	s3 =	sld [smem:$0x3FFD];
	_ =	sdelay $0x3  }
0x96: {  	_ =	strace s3  }
0x97: {  	_ =	strace $0x8FFFFFFF  }
0x98: {  	s19 =	sld [smem:$0x3FDB];
	_ =	sdelay $0x1  }
0x99: {  	s4 =	simm.s32 $_scs_section_size  }
0x9a: {  	s5 =	simm.s32 $_size__tile_overlayer_lowered;
	s6 =	simm.s32 $_tile_overlayer_lowered  }
0x9b: {  	s22 =	simm.s32 $0x1BFF;
	s21 =	sshll.u32 s6, $0x1;
	s3 =	sadd.s32 s4, s19  }
0x9c: {  	s7 =	simm.s32 $0x0;
	s20 =	sshll.u32 s5, $0x1;
	s5 =	sadd.s32 s21, s3  }
0x9d: {  	[timem:s7], [sflag:s22] =	dma.local [hbm:s5], s20  }
0x9e: {  	_ =	swait.ge [sflag:s22], s20  }
0x9f: {  	s4 =	ssub.s32 $0x0, s20;
	[sflag:s22] =	ssyncset.done $0x0  }
0xa0: {  	[sflag:s22] =	ssyncadd.s32 s4;
	_ =	sdelay $0x1  }
0xa1: {  	s23 =	simm.s32 $0x1B8B  }
0xa2: {  	_ =	swait.ge [sflag:s23], $0x1  }
0xa3: {  	[sflag:s23] =	ssyncset.done $0x0  }
0xa4: {  	s25 =	simm.s32 $0x1B8E;
	s24 =	sld [smem:$0x3FFE];
	[sflag:s23] =	ssyncadd.s32 $0xFFFFFFFF  }
0xa5: {  	s26 =	simm.s32 $execute0_lowered;
	[smem:$0x3FD2] =	sst s25  }
0xa6: {  	s5 =	sshll.u32 s26, $0x1;
	_ =	strace $0x80000046;
	[dreg:$0x1] =	wrdreg $0xFFFFFFFF  }
0xa7: {  	s28 =	simm.s32 $_size_execute0_lowered;
	s3 =	sadd.s32 s3, s5;
	[dreg:$0x0] =	wrdreg $0x0  }
0xa8: {  	s5 =	sshll.u32 s28, $0x1;
	[dreg:$0x2] =	wrdreg s3  }
0xa9: {  	[dreg:$0x3] =	wrdreg s5  }
0xaa: {  	[dreg:$0x4] =	wrdreg $0xC0  }
0xab: {  	_ =	task [dreg:s7], $0x5FFFF  }
0xac: {  	[dreg:$0x1] =	wrdreg $0xFFFFFFFF  }
0xad: {  	[dreg:$0x0] =	wrdreg $0x60  }
0xae: {  	[dreg:$0x2] =	wrdreg s24  }
0xaf: {  	[dreg:$0x3] =	wrdreg s2  }
0xb0: {  	[dreg:$0x4] =	wrdreg $0x9  }
0xb1: {  	_ =	task.clear_ibuf [dreg:s7], $0x5FFFF;
	_ =	strace $0x90000046  }
0xb2: {  	s29 =	simm.s32 $0x9;
	_ =	strace $0x80000048  }
0xb3: {  	_ =	swait.ge [sflag:s29], $0x1  }
0xb4: {  	[sflag:s29] =	ssyncadd.s32 $0xFFFFFFFF  }
0xb5: {  	_ =	strace $0x90000048  }
0xb6: {  	_ =	sfence  }
0xb7: {  	s30 =	sld [smem:$0x0];
	_ =	sdelay $0x2  }
0xb8: {  	s31 =	sshll.u32 s1, $0xD;
	s1 =	sshrl.u32 s1, $0x2  }
0xb9: {  	s3 =	sand.u32 $0x4000, s31;
	s1 =	sadd.s32 s1, s30  }
0xba: {  	s0 =	sor.u32 s3, s0;
	s1 =	sshll.u32 s1, $0x11  }
0xbb: {  	s0 =	sor.u32 s1, s0  }
0xbc: {  	s0 =	sadd.s32 $0x8F2B, s0  }
0xbd: {  	[sflag:s0] =	ssyncadd.remote.s32 $0x1  }
0xbe: {  	_ =	sfence.sel $0xFFFF  }
0xbf: {  	[dreg:$0x0] =	wrdreg $0xFFFFFFFF;
	(pc) =	sbr.abs _section_cstart, $3  }
0xc0: {  	[dreg:$0x1] =	wrdreg $0xFFFFFFFF  }
0xc1: {  	_ =	task.clear_ibuf [dreg:s7], $0x2FFFF;
	_ =	strace $0x9FFFFFFF  }
0xc2: {  	(tm) =	ssettm $0x7FFFFFFF  }
0xc3: {  	_ =	shalt  }
tec
execute0_lowered:
.L_overlay_start_1:
0x0: {  	(tag) =	ssettag $0x1  }
0x1: {  	s0 =	srdreg.scid;
	s2 =	stileid.u32;
	s3 =	simm.s32 $0x1  }
0x2: {  	s5 =	rddreg [dreg:$0x0];
	s15 =	simm.s32 $0x0;
	s19 =	simm.s32 $0x400  }
0x3: {  	s20 =	simm.s32 $0x800;
	s17 =	simm.s32 $0xC00;
	s18 =	simm.s32 $0x1000  }
0x4: {  	s21 =	simm.s32 $0x1400;
	s13 =	simm.s32 $0x1800;
	s0 =	sand.u32 $0x1, s0  }
0x5: {  	s14 =	simm.s32 $0x1C00;
	s22 =	simm.s32 $0x2000;
	s1 =	sshll.u32 s0, $0x4  }
0x6: {  	s24 =	simm.s32 $0x2400;
	s1 =	sor.u32 s2, s1;
	s2 =	sand.u32 $0x7, s2  }
0x7: {  	[smem:$0x7FF] =	sst s15;
	p0 =	seq.s32 s1, $0x0;
	p1 =	sne.s32 s2, $0x0  }
0x8: {  	s8 =	sadd.s32 $0xC400, s5;
	s0 =	ssub.s32 $0x2, s0;
	p0 =	por !p1, !p0  }
0x9: {  	_ =	strace $0x80000047;
	s29 =	sshrl.u32 s0, $0x1;
	p0 =	por !p0, !p0  }
0xa: {  	s1 =	sshrl.u32 s1, $0x3;
	s6 =	smul.u32 $0xC, s2;
	s3 =	simm.s32 @!p0 $0x0  }
0xb: {  	s2 =	smul.u32 $0x300000, s2;
	s0 =	ssub.s32 s0, s29;
	s1 =	ssub.s32 s1, s3  }
0xc: {  	[dreg:$0x3] =	wrdreg s8;
	s0 =	smax.u32 s0, $0x1;
	s4 =	smul.u32 $0x60, s1  }
0xd: {  	[dreg:$0xa] =	wrdreg s0;
	s28 =	sshll.u32 s1, $0x12;
	s1 =	smul.u32 $0x1800000, s1  }
0xe: {  	s7 =	sshrl.u32 s28, $0x3;
	s30 =	sor.u32 $0x2000, s28;
	s31 =	sor.u32 $0x3000, s28  }
0xf: {  	s4 =	sadd.s32 s6, s4;
	s1 =	sadd.s32 s2, s1;
	[dreg:$0x8] =	wrdreg s30  }
.Ltmp0:
0x10: {  	[dreg:$0x9] =	wrdreg s31;
	s4 =	sshll.u32 s4, $0x7;
	(pc) =	sbr.rel .LBB2_1-.Ltmp0, $4  }
0x11: {  	s6 =	sadd.s32 s8, s7;
	[dreg:$0x7] =	wrdreg s1;
	s4 =	sand.u32 $0x1FFFFE00, s4  }
0x12: {  	s7 =	sadd.s32 $0x200, s6;
	[dreg:$0x5] =	wrdreg s6;
	s4 =	sadd.s32 s4, s5  }
0x13: {  	s16 =	simm.s32 $0x2800;
	[dreg:$0x6] =	wrdreg s7;
	s4 =	sadd.s32 $0x400, s4  }
0x14: {  	s3 =	simm.s32 $0x2C00;
	s2 =	simm.s32 $0x0;
	[dreg:$0x4] =	wrdreg s4  }
.LBB2_20:
0x15: {  	s0 =	simm.s32 $0x3  }
0x16: {  	_ =	swait.ge [sflag:s0], $0xC000  }
0x17: {  	[sflag:s0] =	ssyncset.done $0x0  }
0x18: {  	s1 =	simm.s32 $0x4;
	[sflag:s0] =	ssyncadd.s32 $0xFFFF4000  }
0x19: {  	_ =	swait.ge [sflag:s1], $0xC000  }
0x1a: {  	s2 =	rddreg [dreg:$0xb]  }
0x1b: {  	s31 =	rddreg [dreg:$0xa];
	s2 =	sadd.s32 $0x1, s2  }
0x1c: {  	p0 =	sne.s32 s2, s31  }
.Ltmp1:
0x1d: {  	_ = 	snop;
	(pc) =	sbr.rel @!p0 .LBB2_21-.Ltmp1, $4  }
0x1e: {  	_ = 	snop  }
0x1f: {  	s17 =	simm.s32 $0xC00  }
0x20: {  	s21 =	simm.s32 $0x1400;
	[sflag:s1] =	ssyncset.done $0x0;
	s6 =	rddreg [dreg:$0x5]  }
0x21: {  	s15 =	simm.s32 $0x0;
	s7 =	rddreg [dreg:$0x6];
	[sflag:s1] =	ssyncadd.s32 $0xFFFF4000  }
.LBB2_1:
0x22: {  	[dreg:$0xb] =	wrdreg s2  }
0x23: {  	s0 =	rddreg [dreg:$0x4];
	s31 =	simm.s32 $0x5  }
0x24: {  	[tilespmem:s15], [sflag:$0x5] =	stream.linear.gather [hbm4b:s0+s15], $0x3000, $0x38;
	[tilespmem:$0x1D000] =	vst v63  }
0x25: {  	_ =	swait.ge [sflag:s31], $0x3000  }
0x26: {  	s1 =	simm.s32 $0x10;
	s4 =	sadd.s32 $0x0, s6;
	[sflag:s31] =	ssyncset.done $0x0  }
0x27: {  	s2 =	simm.s32 $0x3100;
	s0 =	simm.s32 $0x3000;
	[sflag:s31] =	ssyncadd.s32 $0xFFFFD000  }
.LBB2_2:
0x28: {  	[tilespmem:s0], [sflag:$0x1] =	stream.linear.gather [hbm4b:s4+s15], $0x80, $0x38;
	[tilespmem:$0x1D000] =	vst v63  }
0x29: {  	s4 =	smov.u32 s1;
	s0 =	smov.u32 s2;
	p0 =	sne.s32 s1, $0x1F0  }
.Ltmp2:
0x2a: {  	s1 =	sadd.s32 $0x10, s1;
	(pc) =	sbr.rel @p0 .LBB2_2-.Ltmp2, $2  }
0x2b: {  	_ =	sdelay $0x2  }
0x2c: {  	s2 =	sadd.s32 $0x100, s2;
	s4 =	sadd.s32 s4, s6  }
0x2d: {  	[tilespmem:s0], [sflag:$0x1] =	stream.linear.gather [hbm4b:s4+s15], $0x80, $0x38;
	[tilespmem:$0x1D000] =	vst v63  }
0x2e: {  	s28 =	simm.s32 $0x0;
	s0 =	simm.s32 $0x3080  }
0x2f: {  	s1 =	simm.s32 $0x10;
	s4 =	sadd.s32 $0x0, s7;
	s2 =	simm.s32 $0x3180  }
.LBB2_4:
0x30: {  	[tilespmem:s0], [sflag:$0x2] =	stream.linear.gather [hbm4b:s4+s28], $0x80, $0x38;
	[tilespmem:$0x1D000] =	vst v63  }
0x31: {  	s4 =	smov.u32 s1;
	s0 =	smov.u32 s2;
	p0 =	sne.s32 s1, $0x1F0  }
.Ltmp3:
0x32: {  	s1 =	sadd.s32 $0x10, s1;
	(pc) =	sbr.rel @p0 .LBB2_4-.Ltmp3, $2  }
0x33: {  	_ =	sdelay $0x2  }
0x34: {  	s2 =	sadd.s32 $0x100, s2;
	s4 =	sadd.s32 s4, s7  }
0x35: {  	[tilespmem:s0], [sflag:$0x2] =	stream.linear.gather [hbm4b:s4+s28], $0x80, $0x38;
	[tilespmem:$0x1D000] =	vst v63  }
.LBB2_6:
0x36: {  	s0 =	simm.s32 $0x1  }
0x37: {  	_ =	swait.ge [sflag:s0], $0x1000  }
0x38: {  	p0 =	seq.s32 s28, $0x0;
	s1 =	simm.s32 $0x0;
	[sflag:s0] =	ssyncset.done $0x0  }
0x39: {  	s2 =	simm.s32 $0x0;
	[sflag:s0] =	ssyncadd.s32 $0xFFFFF000;
	s0 =	simm.s32 @!p0 $0x3  }
0x3a: {  	s11 =	sand.u32 $0x40, s2;
	s1 =	sand.u32 $0x1F00, s1;
	_ =	swait.ge @!p0 [sflag:s0], $0xC000  }
0x3b: {  	s1 =	sadd.s32 $0x3000, s1;
	s5 =	sor.u32 $0x30, s11;
	[sflag:s0] =	ssyncset.done @!p0 $0x0  }
0x3c: {  	s29 =	sor.u32 $0x10, s11;
	s12 =	sor.u32 s5, s1;
	[sflag:s0] =	ssyncadd.s32 @!p0 $0xFFFF4000  }
0x3d: {  	s10 =	sor.u32 $0x20, s11;
	s23 =	sor.u32 s29, s1;
	v6 =	vld [tilespmem:s12+$0x0]  }
0x3e: {  	s25 =	sor.u32 s10, s1;
	v5 =	vld [tilespmem:s23+$0x0]  }
0x3f: {  	v4 =	vld [tilespmem:s25+$0x0]  }
0x40: {  	s26 =	sor.u32 s11, s1  }
0x41: {  	v0 =	vld [tilespmem:s26+$0x0];
	_ =	sdelay $0x1  }
0x42: {  	s1 =	simm.s32 $0x0  }
0x43: {  	s0 =	sand.u32 $0xFFFFF000, s1  }
0x44: {  	s2 =	simm.s32 $0x0;
	s0 =	ssub.s32 $0x0, s0;
	v1 =	vld.idx.msk [tilespmem:v6+s15+$0x0], $0xffff  }
0x45: {  	s1 =	sand.u32 $0x3FFFFF80, s2;
	s0 =	sand.u32 $0xFFFFFC00, s0;
	v2 =	vld.idx.msk [tilespmem:v5+s15+$0x0], $0xffff  }
0x46: {  	s1 =	sadd.s32 s1, s0;
	v3 =	vld.idx.msk [tilespmem:v4+s15+$0x0], $0xffff  }
0x47: {  	s0 =	sadd.s32 $0x5000, s1  }
0x48: {  	s4 =	sor.u32 s5, s0;
	v7 =	vld.idx.msk [tilespmem:v0+s15+$0x0], $0xffff  }
0x49: {  	s6 =	sor.u32 s29, s0;
	[tilespmem:s4+$0x0] =	vst v1  }
0x4a: {  	s4 =	sor.u32 s10, s0;
	[tilespmem:s6+$0x0] =	vst v2;
	v1 =	vld.idx.msk [tilespmem:v6+s19+$0x0], $0xffff  }
0x4b: {  	v2 =	vld.idx.msk [tilespmem:v5+s19+$0x0], $0xffff;
	[tilespmem:s4+$0x0] =	vst v3  }
0x4c: {  	s0 =	sor.u32 s11, s0;
	v3 =	vld.idx.msk [tilespmem:v4+s19+$0x0], $0xffff  }
0x4d: {  	s7 =	sadd.s32 $0x6000, s1;
	[tilespmem:s0+$0x0] =	vst v7  }
0x4e: {  	s8 =	sor.u32 s5, s7;
	v7 =	vld.idx.msk [tilespmem:v0+s19+$0x0], $0xffff  }
0x4f: {  	s9 =	sor.u32 s29, s7;
	[tilespmem:s8+$0x0] =	vst v1  }
0x50: {  	s12 =	sor.u32 s10, s7;
	[tilespmem:s9+$0x0] =	vst v2;
	v1 =	vld.idx.msk [tilespmem:v6+s20+$0x0], $0xffff  }
0x51: {  	v2 =	vld.idx.msk [tilespmem:v5+s20+$0x0], $0xffff;
	[tilespmem:s12+$0x0] =	vst v3  }
0x52: {  	s23 =	sor.u32 s11, s7;
	v3 =	vld.idx.msk [tilespmem:v4+s20+$0x0], $0xffff  }
0x53: {  	s25 =	sadd.s32 $0x7000, s1;
	[tilespmem:s23+$0x0] =	vst v7  }
0x54: {  	s26 =	sor.u32 s5, s25;
	v7 =	vld.idx.msk [tilespmem:v0+s20+$0x0], $0xffff  }
0x55: {  	s4 =	sor.u32 s29, s25;
	[tilespmem:s26+$0x0] =	vst v1  }
0x56: {  	s6 =	sor.u32 s10, s25;
	[tilespmem:s4+$0x0] =	vst v2;
	v1 =	vld.idx.msk [tilespmem:v6+s17+$0x0], $0xffff  }
0x57: {  	v2 =	vld.idx.msk [tilespmem:v5+s17+$0x0], $0xffff;
	[tilespmem:s6+$0x0] =	vst v3  }
0x58: {  	s7 =	sor.u32 s11, s25;
	v3 =	vld.idx.msk [tilespmem:v4+s17+$0x0], $0xffff  }
0x59: {  	s8 =	sadd.s32 $0x8000, s1;
	[tilespmem:s7+$0x0] =	vst v7  }
0x5a: {  	s9 =	sor.u32 s5, s8;
	v7 =	vld.idx.msk [tilespmem:v0+s17+$0x0], $0xffff  }
0x5b: {  	s12 =	sor.u32 s29, s8;
	[tilespmem:s9+$0x0] =	vst v1  }
0x5c: {  	s23 =	sor.u32 s10, s8;
	[tilespmem:s12+$0x0] =	vst v2;
	v1 =	vld.idx.msk [tilespmem:v6+s18+$0x0], $0xffff  }
0x5d: {  	v2 =	vld.idx.msk [tilespmem:v5+s18+$0x0], $0xffff;
	[tilespmem:s23+$0x0] =	vst v3  }
0x5e: {  	s25 =	sor.u32 s11, s8;
	v3 =	vld.idx.msk [tilespmem:v4+s18+$0x0], $0xffff  }
0x5f: {  	s26 =	sadd.s32 $0x9000, s1;
	[tilespmem:s25+$0x0] =	vst v7  }
0x60: {  	s4 =	sor.u32 s5, s26;
	v7 =	vld.idx.msk [tilespmem:v0+s18+$0x0], $0xffff  }
0x61: {  	s6 =	sor.u32 s29, s26;
	[tilespmem:s4+$0x0] =	vst v1  }
0x62: {  	s8 =	simm.s32 $0x40;
	s2 =	sor.u32 s10, s26;
	[tilespmem:s6+$0x0] =	vst v2;
	s6 =	simm.s32 $0x80  }
0x63: {  	v1 =	vld.idx.msk [tilespmem:v6+s21+$0x0], $0xffff;
	[tilespmem:s2+$0x0] =	vst v3;
	s2 =	sand.u32 $0x40, s8;
	s6 =	sand.u32 $0x1F00, s6  }
0x64: {  	s7 =	sor.u32 s11, s26;
	v9 =	vld.idx.msk [tilespmem:v5+s21+$0x0], $0xffff;
	s12 =	sadd.s32 $0x3000, s6;
	s6 =	sor.u32 $0x30, s2  }
0x65: {  	[tilespmem:s7+$0x0] =	vst v7;
	v7 =	vld.idx.msk [tilespmem:v4+s21+$0x0], $0xffff;
	s7 =	sor.u32 s6, s12  }
0x66: {  	s0 =	sadd.s32 $0xA000, s1;
	s25 =	sor.u32 $0x20, s2;
	v8 =	vld [tilespmem:s7+$0x0]  }
0x67: {  	s9 =	sor.u32 s5, s0;
	v10 =	vld.idx.msk [tilespmem:v0+s21+$0x0], $0xffff;
	s23 =	sor.u32 s25, s12  }
0x68: {  	v2 =	vld [tilespmem:s23+$0x0];
	[tilespmem:s9+$0x0] =	vst v1  }
0x69: {  	s4 =	sor.u32 s2, s12;
	s9 =	sor.u32 $0x10, s2;
	v11 =	vld.idx.msk [tilespmem:v6+s13+$0x0], $0xffff  }
0x6a: {  	s26 =	sor.u32 s29, s0;
	v1 =	vld [tilespmem:s4+$0x0];
	s8 =	sor.u32 s9, s12  }
0x6b: {  	[tilespmem:s26+$0x0] =	vst v9;
	s26 =	sor.u32 s10, s0;
	v3 =	vld [tilespmem:s8+$0x0]  }
0x6c: {  	s7 =	simm.s32 $0x200;
	s0 =	sor.u32 s11, s0;
	s12 =	sadd.s32 $0xB000, s1;
	v9 =	vld.idx.msk [tilespmem:v5+s13+$0x0], $0xffff;
	[tilespmem:s26+$0x0] =	vst v7  }
0x6d: {  	[tilespmem:s0+$0x0] =	vst v10;
	s0 =	sand.u32 $0xFFFFF000, s7;
	s23 =	sor.u32 s5, s12;
	v10 =	vld.idx.msk [tilespmem:v4+s13+$0x0], $0xffff  }
0x6e: {  	s0 =	ssub.s32 $0x200, s0;
	s8 =	simm.s32 $0x10;
	[tilespmem:s23+$0x0] =	vst v11;
	v12 =	vld.idx.msk [tilespmem:v8+s15+$0x0], $0xffff  }
0x6f: {  	s0 =	sand.u32 $0xFFFFFC00, s0;
	s4 =	sand.u32 $0x3FFFFF80, s8;
	v7 =	vld.idx.msk [tilespmem:v6+s14+$0x0], $0xffff  }
0x70: {  	s26 =	sor.u32 s29, s12;
	s4 =	sadd.s32 s4, s0;
	v11 =	vld.idx.msk [tilespmem:v0+s13+$0x0], $0xffff  }
0x71: {  	v14 =	vld.idx.msk [tilespmem:v2+s15+$0x0], $0xffff;
	[tilespmem:s26+$0x0] =	vst v9;
	s26 =	sadd.s32 $0x5000, s4  }
0x72: {  	s13 =	sadd.s32 $0xC000, s1;
	s8 =	sor.u32 s6, s26;
	v15 =	vld.idx.msk [tilespmem:v1+s15+$0x0], $0xffff  }
0x73: {  	s23 =	sor.u32 s5, s13;
	v13 =	vld.idx.msk [tilespmem:v3+s15+$0x0], $0xffff;
	[tilespmem:s8+$0x0] =	vst v12  }
0x74: {  	v9 =	vld.idx.msk [tilespmem:v5+s14+$0x0], $0xffff;
	[tilespmem:s23+$0x0] =	vst v7;
	s23 =	sor.u32 s10, s12  }
0x75: {  	v12 =	vld.idx.msk [tilespmem:v8+s19+$0x0], $0xffff;
	[tilespmem:s23+$0x0] =	vst v10;
	s23 =	sor.u32 s25, s26  }
0x76: {  	s15 =	sor.u32 s9, s26;
	v7 =	vld.idx.msk [tilespmem:v6+s22+$0x0], $0xffff;
	s26 =	sor.u32 s2, s26;
	[tilespmem:s23+$0x0] =	vst v14  }
0x77: {  	v10 =	vld.idx.msk [tilespmem:v4+s14+$0x0], $0xffff;
	[tilespmem:s26+$0x0] =	vst v15  }
0x78: {  	s23 =	sor.u32 s29, s13;
	[tilespmem:s15+$0x0] =	vst v13;
	v14 =	vld.idx.msk [tilespmem:v2+s19+$0x0], $0xffff  }
0x79: {  	s26 =	sadd.s32 $0x6000, s4;
	s15 =	sor.u32 s11, s12;
	v15 =	vld.idx.msk [tilespmem:v1+s19+$0x0], $0xffff;
	[tilespmem:s23+$0x0] =	vst v9  }
0x7a: {  	s7 =	sadd.s32 $0xD000, s1;
	s12 =	sor.u32 s6, s26;
	v13 =	vld.idx.msk [tilespmem:v3+s19+$0x0], $0xffff;
	[tilespmem:s15+$0x0] =	vst v11  }
0x7b: {  	s8 =	sor.u32 s5, s7;
	v11 =	vld.idx.msk [tilespmem:v5+s22+$0x0], $0xffff;
	[tilespmem:s12+$0x0] =	vst v12  }
0x7c: {  	s23 =	sor.u32 s25, s26;
	v9 =	vld.idx.msk [tilespmem:v0+s14+$0x0], $0xffff;
	[tilespmem:s8+$0x0] =	vst v7  }
0x7d: {  	s15 =	sor.u32 s9, s26;
	s26 =	sor.u32 s2, s26;
	v12 =	vld.idx.msk [tilespmem:v8+s20+$0x0], $0xffff;
	[tilespmem:s23+$0x0] =	vst v14  }
0x7e: {  	v7 =	vld.idx.msk [tilespmem:v6+s24+$0x0], $0xffff;
	[tilespmem:s26+$0x0] =	vst v15  }
0x7f: {  	[tilespmem:s15+$0x0] =	vst v13;
	v14 =	vld.idx.msk [tilespmem:v2+s20+$0x0], $0xffff;
	s15 =	sor.u32 s10, s13  }
0x80: {  	s23 =	sor.u32 s11, s13;
	s26 =	sadd.s32 $0x7000, s4;
	v15 =	vld.idx.msk [tilespmem:v1+s20+$0x0], $0xffff;
	[tilespmem:s15+$0x0] =	vst v10  }
0x81: {  	s8 =	sadd.s32 $0xE000, s1;
	s13 =	sor.u32 s6, s26;
	v13 =	vld.idx.msk [tilespmem:v3+s20+$0x0], $0xffff;
	[tilespmem:s23+$0x0] =	vst v9  }
0x82: {  	s14 =	sor.u32 s5, s8;
	s12 =	sor.u32 s2, s26;
	v9 =	vld.idx.msk [tilespmem:v4+s22+$0x0], $0xffff;
	[tilespmem:s13+$0x0] =	vst v12  }
0x83: {  	s15 =	sor.u32 s25, s26;
	v10 =	vld.idx.msk [tilespmem:v0+s22+$0x0], $0xffff;
	[tilespmem:s14+$0x0] =	vst v7;
	s14 =	sor.u32 s9, s26;
	s26 =	sor.u32 s29, s7  }
0x84: {  	v7 =	vld.idx.msk [tilespmem:v6+s16+$0x0], $0xffff;
	[tilespmem:s26+$0x0] =	vst v11  }
0x85: {  	v12 =	vld.idx.msk [tilespmem:v8+s17+$0x0], $0xffff;
	[tilespmem:s15+$0x0] =	vst v14  }
0x86: {  	[tilespmem:s12+$0x0] =	vst v15;
	v14 =	vld.idx.msk [tilespmem:v2+s17+$0x0], $0xffff  }
0x87: {  	s0 =	sadd.s32 $0xF000, s1;
	[tilespmem:s14+$0x0] =	vst v13;
	v15 =	vld.idx.msk [tilespmem:v1+s17+$0x0], $0xffff;
	s14 =	sor.u32 s10, s7  }
0x88: {  	s23 =	sor.u32 s5, s0;
	v13 =	vld.idx.msk [tilespmem:v3+s17+$0x0], $0xffff;
	[tilespmem:s14+$0x0] =	vst v9  }
0x89: {  	s15 =	sadd.s32 $0x8000, s4;
	s7 =	sor.u32 s11, s7;
	v9 =	vld.idx.msk [tilespmem:v4+s24+$0x0], $0xffff;
	[tilespmem:s23+$0x0] =	vst v7  }
0x8a: {  	[tilespmem:s7+$0x0] =	vst v10;
	s23 =	sor.u32 s6, s15;
	v7 =	vld.idx.msk [tilespmem:v6+s3+$0x0], $0xffff  }
0x8b: {  	v6 =	vld.idx.msk [tilespmem:v5+s24+$0x0], $0xffff;
	[tilespmem:s23+$0x0] =	vst v12;
	s3 =	sor.u32 s25, s15  }
0x8c: {  	s13 =	sor.u32 s2, s15;
	v11 =	vld.idx.msk [tilespmem:v8+s18+$0x0], $0xffff;
	[tilespmem:s3+$0x0] =	vst v14  }
0x8d: {  	s26 =	sor.u32 s9, s15;
	[tilespmem:s13+$0x0] =	vst v15;
	v14 =	vld.idx.msk [tilespmem:v0+s24+$0x0], $0xffff  }
0x8e: {  	[tilespmem:s26+$0x0] =	vst v13;
	v13 =	vld.idx.msk [tilespmem:v2+s18+$0x0], $0xffff  }
0x8f: {  	s14 =	sor.u32 s10, s8;
	v10 =	vld.idx.msk [tilespmem:v1+s18+$0x0], $0xffff  }
0x90: {  	s15 =	sadd.s32 $0x9000, s4;
	s13 =	sor.u32 s29, s8;
	v12 =	vld.idx.msk [tilespmem:v3+s18+$0x0], $0xffff;
	[tilespmem:s14+$0x0] =	vst v9  }
0x91: {  	s23 =	sor.u32 s6, s15;
	v9 =	vld.idx.msk [tilespmem:v4+s16+$0x0], $0xffff;
	[tilespmem:s13+$0x0] =	vst v6  }
0x92: {  	s8 =	sor.u32 s11, s8;
	v6 =	vld.idx.msk [tilespmem:v5+s16+$0x0], $0xffff;
	[tilespmem:s23+$0x0] =	vst v11  }
0x93: {  	s3 =	sor.u32 s25, s15;
	[tilespmem:s8+$0x0] =	vst v14;
	v11 =	vld.idx.msk [tilespmem:v8+s21+$0x0], $0xffff  }
0x94: {  	s13 =	sor.u32 s2, s15;
	[tilespmem:s3+$0x0] =	vst v13;
	v14 =	vld.idx.msk [tilespmem:v0+s16+$0x0], $0xffff  }
0x95: {  	s26 =	sor.u32 s9, s15;
	[tilespmem:s13+$0x0] =	vst v10;
	v10 =	vld.idx.msk [tilespmem:v2+s21+$0x0], $0xffff  }
0x96: {  	s30 =	simm.s32 $0x100;
	s14 =	sor.u32 s29, s0;
	s15 =	sor.u32 s10, s0;
	[tilespmem:s26+$0x0] =	vst v12;
	v13 =	vld.idx.msk [tilespmem:v1+s21+$0x0], $0xffff  }
0x97: {  	s8 =	sadd.s32 $0xA000, s4;
	s13 =	simm.s32 $0x2C00;
	s26 =	simm.s32 $0x80;
	v12 =	vld.idx.msk [tilespmem:v3+s21+$0x0], $0xffff;
	[tilespmem:s15+$0x0] =	vst v9  }
0x98: {  	s16 =	sor.u32 s6, s8;
	s12 =	sand.u32 $0x40, s26;
	s15 =	sand.u32 $0x1F00, s30;
	v9 =	vld.idx.msk [tilespmem:v4+s13+$0x0], $0xffff;
	[tilespmem:s14+$0x0] =	vst v6  }
0x99: {  	s3 =	simm.s32 $0x1800;
	s31 =	sor.u32 $0x30, s12;
	s14 =	sadd.s32 $0x3000, s15;
	v15 =	vld.idx.msk [tilespmem:v5+s13+$0x0], $0xffff;
	[tilespmem:s16+$0x0] =	vst v11  }
0x9a: {  	s7 =	sadd.s32 $0x10000, s1;
	s13 =	sor.u32 $0x10, s12;
	s15 =	sor.u32 s31, s14;
	v11 =	vld.idx.msk [tilespmem:v8+s3+$0x0], $0xffff  }
0x9b: {  	s5 =	sor.u32 s5, s7;
	s1 =	sor.u32 $0x20, s12;
	s16 =	sor.u32 s13, s14;
	v4 =	vld [tilespmem:s15+$0x0]  }
0x9c: {  	[tilespmem:s5+$0x0] =	vst v7;
	s5 =	sor.u32 s12, s14;
	s15 =	sor.u32 s1, s14;
	s14 =	sor.u32 s25, s8;
	v6 =	vld [tilespmem:s16+$0x0]  }
0x9d: {  	s16 =	sor.u32 s9, s8;
	v7 =	vld [tilespmem:s15+$0x0];
	s15 =	sadd.s32 $0xB000, s4;
	[tilespmem:s14+$0x0] =	vst v10  }
0x9e: {  	v5 =	vld [tilespmem:s5+$0x0];
	[tilespmem:s16+$0x0] =	vst v12;
	s16 =	sor.u32 s6, s15  }
0x9f: {  	s0 =	sor.u32 s11, s0;
	[tilespmem:s16+$0x0] =	vst v11;
	v11 =	vld.idx.msk [tilespmem:v3+s3+$0x0], $0xffff  }
0xa0: {  	[tilespmem:s0+$0x0] =	vst v14;
	s14 =	simm.s32 $0x1C00;
	v12 =	vld.idx.msk [tilespmem:v2+s3+$0x0], $0xffff;
	s16 =	sor.u32 s2, s8;
	s8 =	simm.s32 $0x400  }
0xa1: {  	s10 =	sor.u32 s10, s7;
	v10 =	vld.idx.msk [tilespmem:v8+s14+$0x0], $0xffff;
	[tilespmem:s16+$0x0] =	vst v13;
	s16 =	sor.u32 s29, s7;
	s0 =	sand.u32 $0xFFFFF000, s8  }
0xa2: {  	s23 =	simm.s32 $0x0;
	v13 =	vld.idx.msk [tilespmem:v1+s3+$0x0], $0xffff;
	[tilespmem:s16+$0x0] =	vst v15;
	s0 =	ssub.s32 $0x400, s0;
	s16 =	simm.s32 $0x20  }
0xa3: {  	[tilespmem:s10+$0x0] =	vst v9;
	s14 =	sor.u32 s9, s15;
	v14 =	vld.idx.msk [tilespmem:v4+s23+$0x0], $0xffff;
	s0 =	sand.u32 $0xFFFFFC00, s0;
	s5 =	sand.u32 $0x3FFFFF80, s16  }
0xa4: {  	s8 =	sadd.s32 $0xC000, s4;
	v9 =	vld.idx.msk [tilespmem:v6+s23+$0x0], $0xffff;
	s10 =	sadd.s32 s5, s0;
	s5 =	sor.u32 s25, s15;
	[tilespmem:s14+$0x0] =	vst v11  }
0xa5: {  	s3 =	sor.u32 s6, s8;
	v15 =	vld.idx.msk [tilespmem:v7+s23+$0x0], $0xffff;
	[tilespmem:s5+$0x0] =	vst v12  }
0xa6: {  	s16 =	sor.u32 s2, s15;
	v11 =	vld.idx.msk [tilespmem:v5+s23+$0x0], $0xffff;
	s23 =	sadd.s32 $0x5000, s10;
	s5 =	simm.s32 $0x1C00;
	[tilespmem:s3+$0x0] =	vst v10  }
0xa7: {  	s3 =	sor.u32 s31, s23;
	v12 =	vld.idx.msk [tilespmem:v3+s5+$0x0], $0xffff;
	[tilespmem:s16+$0x0] =	vst v13  }
0xa8: {  	s15 =	sor.u32 s13, s23;
	v10 =	vld.idx.msk [tilespmem:v8+s22+$0x0], $0xffff;
	[tilespmem:s3+$0x0] =	vst v14  }
0xa9: {  	v13 =	vld.idx.msk [tilespmem:v2+s5+$0x0], $0xffff;
	s16 =	sor.u32 s1, s23;
	[tilespmem:s15+$0x0] =	vst v9  }
0xaa: {  	s23 =	sor.u32 s12, s23;
	v9 =	vld.idx.msk [tilespmem:v4+s19+$0x0], $0xffff;
	[tilespmem:s16+$0x0] =	vst v15  }
0xab: {  	s14 =	sadd.s32 $0xD000, s4;
	s16 =	sor.u32 s9, s8;
	v14 =	vld.idx.msk [tilespmem:v6+s19+$0x0], $0xffff;
	[tilespmem:s23+$0x0] =	vst v11  }
0xac: {  	s15 =	sor.u32 s6, s14;
	v11 =	vld.idx.msk [tilespmem:v7+s19+$0x0], $0xffff;
	[tilespmem:s16+$0x0] =	vst v12  }
0xad: {  	s5 =	sadd.s32 $0x6000, s10;
	s3 =	simm.s32 $0x1C00;
	s23 =	sor.u32 s25, s8;
	v15 =	vld.idx.msk [tilespmem:v5+s19+$0x0], $0xffff;
	[tilespmem:s15+$0x0] =	vst v10  }
0xae: {  	v12 =	vld.idx.msk [tilespmem:v1+s3+$0x0], $0xffff;
	[tilespmem:s23+$0x0] =	vst v13;
	s15 =	sor.u32 s31, s5  }
0xaf: {  	s16 =	sor.u32 s13, s5;
	v10 =	vld.idx.msk [tilespmem:v8+s24+$0x0], $0xffff;
	[tilespmem:s15+$0x0] =	vst v9  }
0xb0: {  	s23 =	sor.u32 s1, s5;
	v9 =	vld.idx.msk [tilespmem:v3+s22+$0x0], $0xffff;
	[tilespmem:s16+$0x0] =	vst v14  }
0xb1: {  	s5 =	sor.u32 s12, s5;
	v13 =	vld.idx.msk [tilespmem:v4+s20+$0x0], $0xffff;
	[tilespmem:s23+$0x0] =	vst v11  }
0xb2: {  	s0 =	sadd.s32 $0xE000, s4;
	s8 =	sor.u32 s2, s8;
	v14 =	vld.idx.msk [tilespmem:v6+s20+$0x0], $0xffff;
	[tilespmem:s5+$0x0] =	vst v15  }
0xb3: {  	s3 =	sor.u32 s6, s0;
	v11 =	vld.idx.msk [tilespmem:v7+s20+$0x0], $0xffff;
	[tilespmem:s8+$0x0] =	vst v12  }
0xb4: {  	s15 =	sor.u32 s9, s14;
	s8 =	sadd.s32 $0x7000, s10;
	v15 =	vld.idx.msk [tilespmem:v5+s20+$0x0], $0xffff;
	[tilespmem:s3+$0x0] =	vst v10  }
0xb5: {  	s16 =	simm.s32 $0x2800;
	s23 =	sor.u32 s31, s8;
	v12 =	vld.idx.msk [tilespmem:v1+s22+$0x0], $0xffff;
	[tilespmem:s15+$0x0] =	vst v9  }
0xb6: {  	s3 =	sor.u32 s13, s8;
	v10 =	vld.idx.msk [tilespmem:v8+s16+$0x0], $0xffff;
	[tilespmem:s23+$0x0] =	vst v13  }
0xb7: {  	v9 =	vld.idx.msk [tilespmem:v2+s22+$0x0], $0xffff;
	s15 =	sor.u32 s1, s8;
	[tilespmem:s3+$0x0] =	vst v14  }
0xb8: {  	s8 =	sor.u32 s12, s8;
	v13 =	vld.idx.msk [tilespmem:v4+s17+$0x0], $0xffff;
	[tilespmem:s15+$0x0] =	vst v11  }
0xb9: {  	s5 =	sadd.s32 $0xF000, s4;
	s22 =	sor.u32 s25, s14;
	s14 =	sor.u32 s2, s14;
	v14 =	vld.idx.msk [tilespmem:v6+s17+$0x0], $0xffff;
	[tilespmem:s8+$0x0] =	vst v15  }
0xba: {  	s16 =	sor.u32 s6, s5;
	v11 =	vld.idx.msk [tilespmem:v7+s17+$0x0], $0xffff;
	[tilespmem:s14+$0x0] =	vst v12  }
0xbb: {  	s23 =	sadd.s32 $0x8000, s10;
	[tilespmem:s16+$0x0] =	vst v10;
	v10 =	vld.idx.msk [tilespmem:v5+s17+$0x0], $0xffff  }
0xbc: {  	s15 =	simm.s32 $0x2C00;
	[tilespmem:s22+$0x0] =	vst v9;
	s16 =	sor.u32 s31, s23;
	v9 =	vld.idx.msk [tilespmem:v3+s24+$0x0], $0xffff  }
0xbd: {  	s17 =	sor.u32 s13, s23;
	v8 =	vld.idx.msk [tilespmem:v8+s15+$0x0], $0xffff;
	[tilespmem:s16+$0x0] =	vst v13  }
0xbe: {  	s22 =	sor.u32 s1, s23;
	v12 =	vld.idx.msk [tilespmem:v2+s24+$0x0], $0xffff;
	[tilespmem:s17+$0x0] =	vst v14  }
0xbf: {  	s8 =	sor.u32 s12, s23;
	v13 =	vld.idx.msk [tilespmem:v4+s18+$0x0], $0xffff;
	[tilespmem:s22+$0x0] =	vst v11  }
0xc0: {  	s14 =	sadd.s32 $0x10000, s4;
	v16 =	vld.idx.msk [tilespmem:v1+s24+$0x0], $0xffff;
	s23 =	sor.u32 s9, s0;
	[tilespmem:s8+$0x0] =	vst v10  }
0xc1: {  	s4 =	sor.u32 s6, s14;
	v14 =	vld.idx.msk [tilespmem:v6+s18+$0x0], $0xffff;
	[tilespmem:s23+$0x0] =	vst v9  }
0xc2: {  	s3 =	sor.u32 s25, s0;
	v11 =	vld.idx.msk [tilespmem:v7+s18+$0x0], $0xffff;
	s8 =	sadd.s32 $0x9000, s10;
	[tilespmem:s4+$0x0] =	vst v8  }
0xc3: {  	s16 =	simm.s32 $0x2800;
	v15 =	vld.idx.msk [tilespmem:v5+s18+$0x0], $0xffff;
	s15 =	sor.u32 s31, s8;
	[tilespmem:s3+$0x0] =	vst v12  }
0xc4: {  	v9 =	vld.idx.msk [tilespmem:v3+s16+$0x0], $0xffff;
	[tilespmem:s15+$0x0] =	vst v13  }
0xc5: {  	s22 =	sshll.u32 s28, $0xD;
	v8 =	vld.idx.msk [tilespmem:v2+s16+$0x0], $0xffff;
	[dreg:$0xc] =	wrdreg s28  }
0xc6: {  	s17 =	sor.u32 s13, s8;
	[dreg:$0xd] =	wrdreg s22  }
0xc7: {  	s23 =	sor.u32 s1, s8;
	[tilespmem:s17+$0x0] =	vst v14  }
0xc8: {  	s0 =	sor.u32 s2, s0;
	v13 =	vld.idx.msk [tilespmem:v4+s21+$0x0], $0xffff;
	[tilespmem:s23+$0x0] =	vst v11  }
0xc9: {  	s11 =	sor.u32 s11, s7;
	s29 =	sor.u32 s2, s5;
	s24 =	sor.u32 s12, s8;
	[tilespmem:s0+$0x0] =	vst v16;
	v10 =	vld.idx.msk [tilespmem:v6+s21+$0x0], $0xffff  }
0xca: {  	s7 =	sor.u32 s25, s14;
	s18 =	simm.s32 $0x2800;
	s28 =	sor.u32 s9, s5;
	[tilespmem:s24+$0x0] =	vst v15;
	v11 =	vld.idx.msk [tilespmem:v7+s21+$0x0], $0xffff  }
0xcb: {  	s4 =	simm.s32 $0x80;
	s8 =	sor.u32 s9, s14;
	s0 =	sor.u32 s25, s5;
	[tilespmem:s28+$0x0] =	vst v9;
	v9 =	vld.idx.msk [tilespmem:v1+s18+$0x0], $0xffff  }
0xcc: {  	s5 =	sor.u32 s2, s14;
	s2 =	simm.s32 $0x400;
	s14 =	sadd.s32 $0xA000, s10;
	v12 =	vld.idx.msk [tilespmem:v5+s21+$0x0], $0xffff  }
.LBB2_7:
0xcd: {  	s26 =	sadd.s32 $0x40, s26;
	s23 =	simm.s32 $0x2C00  }
0xce: {  	s6 =	sor.u32 s31, s14;
	s30 =	sadd.s32 $0x80, s30;
	[tilespmem:s0+$0x0] =	vst v8;
	s15 =	sor.u32 s12, s14;
	v14 =	vld.idx.msk [tilespmem:v3+s23+$0x0], $0xffff;
	v3 =	vmov v6  }
0xcf: {  	s3 =	simm.s32 $0x1800;
	s9 =	sand.u32 $0x40, s26;
	s0 =	sand.u32 $0x1F00, s30;
	[tilespmem:s6+$0x0] =	vst v13;
	v13 =	vld.idx.msk [tilespmem:v2+s23+$0x0], $0xffff;
	v2 =	vmov v7  }
0xd0: {  	s0 =	sadd.s32 $0x3000, s0;
	s6 =	sor.u32 $0x10, s9;
	s25 =	sor.u32 $0x30, s9;
	v15 =	vld.idx.msk [tilespmem:v4+s3+$0x0], $0xffff  }
0xd1: {  	s28 =	sor.u32 $0x20, s9;
	s16 =	sor.u32 s6, s0;
	s17 =	sor.u32 s25, s0;
	v16 =	vld.idx.msk [tilespmem:v0+s23+$0x0], $0xffff;
	v0 =	vmov v1;
	v1 =	vmov v5  }
0xd2: {  	s18 =	sor.u32 s9, s0;
	s0 =	sor.u32 s28, s0;
	v8 =	vld [tilespmem:s17+$0x0];
	[tilespmem:s15+$0x0] =	vst v12;
	s15 =	sor.u32 s13, s14  }
0xd3: {  	p1 =	slt.u32 s26, $0xFC0;
	s14 =	sor.u32 s1, s14;
	v6 =	vld [tilespmem:s16+$0x0];
	[tilespmem:s15+$0x0] =	vst v10  }
0xd4: {  	v7 =	vld [tilespmem:s0+$0x0];
	s0 =	sadd.s32 $0xB000, s10;
	[tilespmem:s14+$0x0] =	vst v11  }
0xd5: {  	v5 =	vld [tilespmem:s18+$0x0];
	s14 =	sor.u32 s12, s0;
	s15 =	sor.u32 s13, s0;
	s16 =	sor.u32 s31, s0;
	[tilespmem:s29+$0x0] =	vst v9  }
0xd6: {  	s22 =	simm.s32 $0x1C00;
	s17 =	sor.u32 s1, s0;
	v9 =	vld.idx.msk [tilespmem:v3+s3+$0x0], $0xffff;
	[tilespmem:s16+$0x0] =	vst v15  }
0xd7: {  	s4 =	sadd.s32 $0x40, s4;
	v10 =	vld.idx.msk [tilespmem:v4+s22+$0x0], $0xffff;
	[tilespmem:s8+$0x0] =	vst v14  }
0xd8: {  	s2 =	sadd.s32 $0x200, s2;
	s0 =	sshll.u32 s4, $0x3;
	v11 =	vld.idx.msk [tilespmem:v2+s3+$0x0], $0xffff;
	[tilespmem:s7+$0x0] =	vst v13  }
0xd9: {  	s0 =	sand.u32 $0xFFFFF000, s0;
	v12 =	vld.idx.msk [tilespmem:v1+s3+$0x0], $0xffff;
	[tilespmem:s11+$0x0] =	vst v16;
	s11 =	smov.u32 s5;
	s3 =	simm.s32 $0x0  }
0xda: {  	s0 =	ssub.s32 s2, s0;
	s5 =	sshrl.u32 s26, $0x2;
	v13 =	vld.idx.msk [tilespmem:v8+s3+$0x0], $0xffff  }
0xdb: {  	s7 =	sadd.s32 $0xC000, s10;
	s0 =	sand.u32 $0xFFFFFC00, s0;
	s5 =	sand.u32 $0x3FFFFF80, s5;
	v14 =	vld.idx.msk [tilespmem:v6+s3+$0x0], $0xffff  }
0xdc: {  	s8 =	sor.u32 s31, s7;
	s5 =	sadd.s32 s5, s0;
	v15 =	vld.idx.msk [tilespmem:v7+s3+$0x0], $0xffff;
	[tilespmem:s15+$0x0] =	vst v9  }
0xdd: {  	s0 =	sor.u32 s12, s7;
	s15 =	sor.u32 s13, s7;
	v9 =	vld.idx.msk [tilespmem:v5+s3+$0x0], $0xffff;
	[tilespmem:s8+$0x0] =	vst v10;
	s3 =	simm.s32 $0x2000  }
0xde: {  	s16 =	sor.u32 s1, s7;
	s8 =	sadd.s32 $0x5000, s5;
	[tilespmem:s17+$0x0] =	vst v11;
	v10 =	vld.idx.msk [tilespmem:v4+s3+$0x0], $0xffff  }
0xdf: {  	s7 =	sor.u32 s9, s8;
	s17 =	sor.u32 s6, s8;
	s18 =	sor.u32 s25, s8;
	[tilespmem:s14+$0x0] =	vst v12;
	v11 =	vld.idx.msk [tilespmem:v3+s22+$0x0], $0xffff  }
0xe0: {  	s8 =	sor.u32 s28, s8;
	[tilespmem:s18+$0x0] =	vst v13;
	v12 =	vld.idx.msk [tilespmem:v2+s22+$0x0], $0xffff  }
0xe1: {  	[tilespmem:s17+$0x0] =	vst v14;
	v13 =	vld.idx.msk [tilespmem:v8+s19+$0x0], $0xffff  }
0xe2: {  	v14 =	vld.idx.msk [tilespmem:v6+s19+$0x0], $0xffff;
	[tilespmem:s8+$0x0] =	vst v15;
	s8 =	sadd.s32 $0xD000, s10  }
0xe3: {  	[tilespmem:s7+$0x0] =	vst v9;
	v9 =	vld.idx.msk [tilespmem:v7+s19+$0x0], $0xffff;
	s7 =	sor.u32 s12, s8;
	s17 =	sor.u32 s13, s8;
	s14 =	sor.u32 s31, s8  }
0xe4: {  	s21 =	simm.s32 $0x2400;
	s8 =	sor.u32 s1, s8;
	v15 =	vld.idx.msk [tilespmem:v5+s19+$0x0], $0xffff;
	[tilespmem:s14+$0x0] =	vst v10  }
0xe5: {  	s14 =	sadd.s32 $0x6000, s5;
	[tilespmem:s15+$0x0] =	vst v11;
	v10 =	vld.idx.msk [tilespmem:v4+s21+$0x0], $0xffff  }
0xe6: {  	s15 =	sor.u32 s9, s14;
	s18 =	sor.u32 s6, s14;
	s29 =	sor.u32 s25, s14;
	v11 =	vld.idx.msk [tilespmem:v1+s22+$0x0], $0xffff;
	[tilespmem:s16+$0x0] =	vst v12  }
0xe7: {  	s14 =	sor.u32 s28, s14;
	[tilespmem:s29+$0x0] =	vst v13;
	v12 =	vld.idx.msk [tilespmem:v3+s3+$0x0], $0xffff  }
0xe8: {  	[tilespmem:s18+$0x0] =	vst v14;
	v13 =	vld.idx.msk [tilespmem:v8+s20+$0x0], $0xffff  }
0xe9: {  	s18 =	sadd.s32 $0xE000, s10;
	v14 =	vld.idx.msk [tilespmem:v6+s20+$0x0], $0xffff;
	[tilespmem:s14+$0x0] =	vst v9  }
0xea: {  	s14 =	sor.u32 s12, s18;
	s16 =	sor.u32 s13, s18;
	s29 =	sor.u32 s31, s18;
	[tilespmem:s15+$0x0] =	vst v15;
	v9 =	vld.idx.msk [tilespmem:v7+s20+$0x0], $0xffff  }
0xeb: {  	s24 =	simm.s32 $0x2800;
	s15 =	sor.u32 s1, s18;
	v15 =	vld.idx.msk [tilespmem:v5+s20+$0x0], $0xffff;
	[tilespmem:s29+$0x0] =	vst v10  }
0xec: {  	s18 =	sadd.s32 $0x7000, s5;
	[tilespmem:s0+$0x0] =	vst v11;
	v10 =	vld.idx.msk [tilespmem:v4+s24+$0x0], $0xffff  }
0xed: {  	s29 =	sor.u32 s6, s18;
	s19 =	sor.u32 s25, s18;
	s0 =	sor.u32 s9, s18;
	[tilespmem:s17+$0x0] =	vst v12;
	v11 =	vld.idx.msk [tilespmem:v2+s3+$0x0], $0xffff  }
0xee: {  	s17 =	sor.u32 s28, s18;
	[tilespmem:s19+$0x0] =	vst v13;
	v12 =	vld.idx.msk [tilespmem:v1+s3+$0x0], $0xffff;
	s3 =	simm.s32 $0xC00  }
0xef: {  	[tilespmem:s29+$0x0] =	vst v14;
	v13 =	vld.idx.msk [tilespmem:v8+s3+$0x0], $0xffff  }
0xf0: {  	s18 =	sadd.s32 $0xF000, s10;
	v14 =	vld.idx.msk [tilespmem:v6+s3+$0x0], $0xffff;
	[tilespmem:s17+$0x0] =	vst v9  }
0xf1: {  	s19 =	sor.u32 s31, s18;
	s29 =	sor.u32 s12, s18;
	s17 =	sor.u32 s13, s18;
	[tilespmem:s0+$0x0] =	vst v15;
	v9 =	vld.idx.msk [tilespmem:v7+s3+$0x0], $0xffff  }
0xf2: {  	s0 =	sor.u32 s1, s18;
	v15 =	vld.idx.msk [tilespmem:v5+s3+$0x0], $0xffff;
	[tilespmem:s19+$0x0] =	vst v10  }
0xf3: {  	s18 =	sadd.s32 $0x8000, s5;
	[tilespmem:s8+$0x0] =	vst v11;
	v10 =	vld.idx.msk [tilespmem:v4+s23+$0x0], $0xffff;
	v4 =	vmov v8  }
0xf4: {  	s19 =	sor.u32 s6, s18;
	s20 =	sor.u32 s25, s18;
	s8 =	sor.u32 s9, s18;
	[tilespmem:s7+$0x0] =	vst v12;
	v11 =	vld.idx.msk [tilespmem:v3+s21+$0x0], $0xffff  }
0xf5: {  	s3 =	simm.s32 $0x1000;
	s7 =	sor.u32 s28, s18;
	[tilespmem:s20+$0x0] =	vst v13;
	s20 =	simm.s32 $0x800;
	v12 =	vld.idx.msk [tilespmem:v2+s21+$0x0], $0xffff  }
0xf6: {  	[tilespmem:s19+$0x0] =	vst v14;
	s19 =	simm.s32 $0x400;
	v8 =	vld.idx.msk [tilespmem:v8+s3+$0x0], $0xffff  }
0xf7: {  	[tilespmem:s7+$0x0] =	vst v9;
	s7 =	sadd.s32 $0x10000, s10  }
0xf8: {  	s22 =	simm.s32 $0x1000;
	v13 =	vld.idx.msk [tilespmem:v6+s3+$0x0], $0xffff;
	s10 =	smov.u32 s5;
	s5 =	sor.u32 s12, s7  }
0xf9: {  	[tilespmem:s8+$0x0] =	vst v15;
	v9 =	vld.idx.msk [tilespmem:v7+s3+$0x0], $0xffff;
	s8 =	sor.u32 s13, s7;
	s12 =	sor.u32 s31, s7;
	s7 =	sor.u32 s1, s7  }
0xfa: {  	s13 =	smov.u32 s6;
	s6 =	sadd.s32 $0x9000, s10;
	v14 =	vld.idx.msk [tilespmem:v5+s3+$0x0], $0xffff;
	[tilespmem:s12+$0x0] =	vst v10;
	s12 =	smov.u32 s9  }
0xfb: {  	s31 =	smov.u32 s25;
	s1 =	smov.u32 s28;
	s28 =	simm.s32 $0x1400;
	v15 =	vld.idx.msk [tilespmem:v1+s21+$0x0], $0xffff;
	[tilespmem:s16+$0x0] =	vst v11  }
0xfc: {  	s18 =	sor.u32 s31, s6;
	s9 =	sor.u32 s12, s6;
	s16 =	sor.u32 s13, s6;
	v16 =	vld.idx.msk [tilespmem:v3+s24+$0x0], $0xffff;
	[tilespmem:s15+$0x0] =	vst v12  }
0xfd: {  	s6 =	sor.u32 s1, s6;
	[tilespmem:s18+$0x0] =	vst v8;
	v8 =	vld.idx.msk [tilespmem:v2+s24+$0x0], $0xffff  }
.Ltmp4:
0xfe: {  	[tilespmem:s16+$0x0] =	vst v13;
	v13 =	vld.idx.msk [tilespmem:v4+s28+$0x0], $0xffff;
	(pc) =	sbr.rel @p1 .LBB2_7-.Ltmp4, $4  }
0xff: {  	v10 =	vld.idx.msk [tilespmem:v6+s28+$0x0], $0xffff;
	[tilespmem:s6+$0x0] =	vst v9  }
0x100: {  	[tilespmem:s9+$0x0] =	vst v14;
	v11 =	vld.idx.msk [tilespmem:v7+s28+$0x0], $0xffff  }
0x101: {  	v12 =	vld.idx.msk [tilespmem:v5+s28+$0x0], $0xffff;
	[tilespmem:s14+$0x0] =	vst v15  }
0x102: {  	s14 =	sadd.s32 $0xA000, s10;
	v9 =	vld.idx.msk [tilespmem:v1+s24+$0x0], $0xffff;
	[tilespmem:s17+$0x0] =	vst v16  }
0x103: {  	_ =	sdelay $0x1  }
0x104: {  	s2 =	sor.u32 s31, s14  }
0x105: {  	s18 =	sor.u32 s13, s14;
	s3 =	simm.s32 $0x1800;
	[tilespmem:s2+$0x0] =	vst v13  }
0x106: {  	s21 =	sor.u32 s1, s14;
	[tilespmem:s18+$0x0] =	vst v10;
	v13 =	vld.idx.msk [tilespmem:v4+s3+$0x0], $0xffff  }
0x107: {  	[tilespmem:s21+$0x0] =	vst v11;
	v10 =	vld.idx.msk [tilespmem:v6+s3+$0x0], $0xffff  }
0x108: {  	v11 =	vld.idx.msk [tilespmem:v7+s3+$0x0], $0xffff  }
0x109: {  	s23 =	sor.u32 s12, s14;
	s24 =	sadd.s32 $0xB000, s10  }
0x10a: {  	s4 =	sor.u32 s31, s24;
	[tilespmem:s23+$0x0] =	vst v12  }
0x10b: {  	s6 =	simm.s32 $0x1C00;
	s25 =	sor.u32 s13, s24;
	v12 =	vld.idx.msk [tilespmem:v5+s3+$0x0], $0xffff;
	[tilespmem:s4+$0x0] =	vst v13  }
0x10c: {  	s26 =	sor.u32 s1, s24;
	[tilespmem:s25+$0x0] =	vst v10;
	v54 =	vld.idx.msk [tilespmem:v4+s6+$0x0], $0xffff  }
0x10d: {  	[tilespmem:s26+$0x0] =	vst v11;
	v55 =	vld.idx.msk [tilespmem:v6+s6+$0x0], $0xffff  }
0x10e: {  	v56 =	vld.idx.msk [tilespmem:v7+s6+$0x0], $0xffff  }
0x10f: {  	s30 =	sadd.s32 $0xC000, s10;
	s2 =	sor.u32 s12, s24  }
0x110: {  	s3 =	sor.u32 s31, s30;
	[tilespmem:s2+$0x0] =	vst v12  }
0x111: {  	s14 =	simm.s32 $0x2000;
	v12 =	vld.idx.msk [tilespmem:v5+s6+$0x0], $0xffff;
	s6 =	sor.u32 s13, s30;
	[tilespmem:s3+$0x0] =	vst v54  }
0x112: {  	s9 =	sor.u32 s1, s30;
	[tilespmem:s6+$0x0] =	vst v55;
	v10 =	vld.idx.msk [tilespmem:v4+s14+$0x0], $0xffff  }
0x113: {  	[tilespmem:s9+$0x0] =	vst v56;
	v11 =	vld.idx.msk [tilespmem:v6+s14+$0x0], $0xffff  }
0x114: {  	v13 =	vld.idx.msk [tilespmem:v7+s14+$0x0], $0xffff  }
0x115: {  	s16 =	sadd.s32 $0xD000, s10;
	s15 =	sor.u32 s12, s30  }
0x116: {  	s17 =	sor.u32 s31, s16;
	[tilespmem:s15+$0x0] =	vst v12  }
0x117: {  	s18 =	sor.u32 s13, s16;
	s23 =	simm.s32 $0x2400;
	v12 =	vld.idx.msk [tilespmem:v5+s14+$0x0], $0xffff;
	[tilespmem:s17+$0x0] =	vst v10  }
0x118: {  	s21 =	sor.u32 s1, s16;
	[tilespmem:s18+$0x0] =	vst v11;
	v10 =	vld.idx.msk [tilespmem:v4+s23+$0x0], $0xffff  }
0x119: {  	[tilespmem:s21+$0x0] =	vst v13;
	v11 =	vld.idx.msk [tilespmem:v6+s23+$0x0], $0xffff  }
0x11a: {  	v13 =	vld.idx.msk [tilespmem:v7+s23+$0x0], $0xffff  }
0x11b: {  	[tilespmem:s0+$0x0] =	vst v8;
	s24 =	sor.u32 s12, s16;
	s25 =	sadd.s32 $0xE000, s10;
	s30 =	simm.s32 $0x2C00  }
0x11c: {  	s26 =	sor.u32 s31, s25;
	v3 =	vld.idx.msk [tilespmem:v3+s30+$0x0], $0xffff;
	[tilespmem:s24+$0x0] =	vst v12  }
0x11d: {  	s4 =	sor.u32 s13, s25;
	s9 =	simm.s32 $0x2800;
	v57 =	vld.idx.msk [tilespmem:v5+s23+$0x0], $0xffff;
	[tilespmem:s26+$0x0] =	vst v10  }
0x11e: {  	s6 =	sor.u32 s1, s25;
	[tilespmem:s4+$0x0] =	vst v11;
	v10 =	vld.idx.msk [tilespmem:v4+s9+$0x0], $0xffff  }
0x11f: {  	[tilespmem:s6+$0x0] =	vst v13;
	v11 =	vld.idx.msk [tilespmem:v6+s9+$0x0], $0xffff  }
0x120: {  	[tilespmem:s29+$0x0] =	vst v9;
	v58 =	vld.idx.msk [tilespmem:v7+s9+$0x0], $0xffff  }
0x121: {  	v2 =	vld.idx.msk [tilespmem:v2+s30+$0x0], $0xffff;
	s15 =	sadd.s32 $0xF000, s10;
	s14 =	sor.u32 s12, s25;
	[tilespmem:s8+$0x0] =	vst v3  }
0x122: {  	v0 =	vld.idx.msk [tilespmem:v0+s30+$0x0], $0xffff;
	s16 =	sor.u32 s31, s15;
	[tilespmem:s14+$0x0] =	vst v57  }
0x123: {  	s17 =	sor.u32 s13, s15;
	v59 =	vld.idx.msk [tilespmem:v5+s9+$0x0], $0xffff;
	[tilespmem:s16+$0x0] =	vst v10  }
0x124: {  	s18 =	sor.u32 s1, s15;
	[tilespmem:s17+$0x0] =	vst v11;
	v60 =	vld.idx.msk [tilespmem:v4+s30+$0x0], $0xffff  }
0x125: {  	[tilespmem:s18+$0x0] =	vst v58;
	v61 =	vld.idx.msk [tilespmem:v6+s30+$0x0], $0xffff  }
0x126: {  	[tilespmem:s7+$0x0] =	vst v2;
	v62 =	vld.idx.msk [tilespmem:v7+s30+$0x0], $0xffff  }
0x127: {  	s0 =	sor.u32 s12, s15;
	[tilespmem:s11+$0x0] =	vst v0;
	s21 =	sadd.s32 $0x10000, s10  }
0x128: {  	v1 =	vld.idx.msk [tilespmem:v1+s30+$0x0], $0xffff;
	s23 =	sor.u32 s31, s21;
	[tilespmem:s0+$0x0] =	vst v59  }
0x129: {  	s24 =	sor.u32 s13, s21;
	v63 =	vld.idx.msk [tilespmem:v5+s30+$0x0], $0xffff;
	[tilespmem:s23+$0x0] =	vst v60  }
0x12a: {  	s25 =	sor.u32 s1, s21;
	[tilespmem:s24+$0x0] =	vst v61  }
0x12b: {  	[tilespmem:s25+$0x0] =	vst v62  }
0x12c: {  	s1 =	rddreg [dreg:$0x7]  }
0x12d: {  	s0 =	sor.u32 s12, s21;
	s4 =	rddreg [dreg:$0xd];
	[tilespmem:s5+$0x0] =	vst v1  }
0x12e: {  	[tilespmem:s0+$0x0] =	vst v63  }
0x12f: {  	s31 =	rddreg [dreg:$0xc]  }
0x130: {  	s29 =	simm.s32 $0x40000;
	s3 =	simm.s32 $0x2C00;
	p1 =	sne.s32 s31, $0x1F  }
.Ltmp5:
0x131: {  	s26 =	rddreg [dreg:$0x1];
	s14 =	simm.s32 $0x1C00;
	(pc) =	sbr.rel @p1 .LBB2_10-.Ltmp5, $4  }
0x132: {  	s16 =	simm.s32 $0x1000;
	s18 =	simm.s32 $0x2400;
	s1 =	sor.u32 s1, s4  }
0x133: {  	s21 =	simm.s32 $0x2800;
	s30 =	simm.s32 $0x5000;
	s1 =	sshrl.u32 s1, $0x3  }
0x134: {  	s24 =	simm.s32 $0x1800;
	[dreg:$0xe] =	wrdreg s1;
	s0 =	sadd.s32 s26, s1  }
0x135: {  	[hbm4b:s0+s22] =	stream.strided.scatter [tilespmem:s30], [sflag:$0x3], $0xC000, s29, s22, $0x38;
	[tilespmem:$0x1D000] =	vst v63  }
.Ltmp6:
0x136: {  	(pc) =	sbr.rel .LBB2_13-.Ltmp6, $4  }
0x137: {  	s0 =	simm.s32 $0x2  }
0x138: {  	_ =	swait.ge [sflag:s0], $0x1000  }
0x139: {  	s15 =	simm.s32 $0xC00;
	[sflag:s0] =	ssyncset.done $0x0  }
0x13a: {  	s17 =	simm.s32 $0x2000;
	s23 =	simm.s32 $0x0;
	[sflag:s0] =	ssyncadd.s32 $0xFFFFF000  }
.LBB2_10:
0x13b: {  	s0 =	rddreg [dreg:$0x8]  }
0x13c: {  	s0 =	sadd.s32 s4, s0  }
0x13d: {  	s1 =	rddreg [dreg:$0x3];
	s2 =	simm.s32 $0x10;
	s0 =	sshrl.u32 s0, $0x3  }
0x13e: {  	s15 =	simm.s32 $0xC00;
	s23 =	simm.s32 $0x0;
	s0 =	sadd.s32 s1, s0  }
0x13f: {  	s4 =	simm.s32 $0x3100;
	s1 =	simm.s32 $0x3000;
	s5 =	sadd.s32 $0x0, s0  }
.LBB2_11:
0x140: {  	[tilespmem:s1], [sflag:$0x1] =	stream.linear.gather [hbm4b:s5+s23], $0x80, $0x38;
	[tilespmem:$0x1D000] =	vst v63  }
0x141: {  	s5 =	smov.u32 s2;
	s1 =	smov.u32 s4;
	p1 =	sne.s32 s2, $0x1F0  }
.Ltmp7:
0x142: {  	s2 =	sadd.s32 $0x10, s2;
	(pc) =	sbr.rel @p1 .LBB2_11-.Ltmp7, $2  }
0x143: {  	_ =	sdelay $0x2  }
0x144: {  	s4 =	sadd.s32 $0x100, s4;
	s5 =	sadd.s32 s5, s0  }
0x145: {  	[tilespmem:s1], [sflag:$0x1] =	stream.linear.gather [hbm4b:s5+s23], $0x80, $0x38;
	[tilespmem:$0x1D000] =	vst v63  }
.Ltmp8:
0x146: {  	_ = 	snop;
	(pc) =	sbr.rel @p0 .LBB2_14-.Ltmp8, $4  }
0x147: {  	s0 =	simm.s32 $0x2  }
0x148: {  	_ =	swait.ge [sflag:s0], $0x1000  }
0x149: {  	[sflag:s0] =	ssyncset.done $0x0  }
0x14a: {  	s17 =	simm.s32 $0x2000;
	[sflag:s0] =	ssyncadd.s32 $0xFFFFF000  }
.LBB2_13:
0x14b: {  	s0 =	simm.s32 $0x4  }
0x14c: {  	_ =	swait.ge [sflag:s0], $0xC000  }
0x14d: {  	[sflag:s0] =	ssyncset.done $0x0  }
0x14e: {  	[sflag:s0] =	ssyncadd.s32 $0xFFFF4000  }
.LBB2_14:
0x14f: {  	p0 =	por $0x0, $0x0;
	s0 =	simm.s32 $0x1  }
0x150: {  	s0 =	simm.s32 @!p0 $0x0  }
0x151: {  	s0 =	sshll.u32 s0, $0x6  }
0x152: {  	s0 =	sadd.s32 $0x0, s0  }
0x153: {  	s1 =	sadd.s32 $0x30, s0  }
0x154: {  	s2 =	sadd.s32 $0x10, s0;
	s1 =	sor.u32 $0x80, s1  }
0x155: {  	s2 =	sor.u32 $0x80, s2;
	v5 =	vld [tilespmem:s1+$0x3000]  }
0x156: {  	v4 =	vld [tilespmem:s2+$0x3000]  }
0x157: {  	s10 =	sadd.s32 $0x20, s0;
	s0 =	sor.u32 $0x80, s0  }
0x158: {  	v7 =	vld [tilespmem:s0+$0x3000];
	s1 =	sor.u32 $0x80, s10  }
0x159: {  	v3 =	vld [tilespmem:s1+$0x3000];
	_ =	sdelay $0x1  }
0x15a: {  	s11 =	simm.s32 $0x0  }
0x15b: {  	s0 =	sand.u32 $0xFFFFF000, s11  }
0x15c: {  	s12 =	simm.s32 $0x0;
	s0 =	ssub.s32 $0x0, s0;
	v0 =	vld.idx.msk [tilespmem:v5+s23+$0x0], $0xffff  }
0x15d: {  	s13 =	simm.s32 $0x0;
	s0 =	sand.u32 $0xFFFFFC00, s0;
	s1 =	sand.u32 $0x3FFFFF80, s12;
	v1 =	vld.idx.msk [tilespmem:v4+s23+$0x0], $0xffff  }
0x15e: {  	s11 =	sand.u32 $0x40, s13;
	s13 =	sadd.s32 s1, s0  }
0x15f: {  	s2 =	sor.u32 $0x30, s11;
	s0 =	sadd.s32 $0x11000, s13;
	v6 =	vld.idx.msk [tilespmem:v7+s23+$0x0], $0xffff  }
0x160: {  	s1 =	sor.u32 $0x10, s11;
	s4 =	sor.u32 s2, s0;
	v2 =	vld.idx.msk [tilespmem:v3+s23+$0x0], $0xffff  }
0x161: {  	s5 =	sor.u32 s1, s0;
	[tilespmem:s4+$0x0] =	vst v0  }
0x162: {  	s10 =	sor.u32 $0x20, s11;
	[tilespmem:s5+$0x0] =	vst v1;
	v0 =	vld.idx.msk [tilespmem:v5+s19+$0x0], $0xffff  }
0x163: {  	s22 =	sor.u32 s10, s0;
	s0 =	sor.u32 s11, s0;
	v1 =	vld.idx.msk [tilespmem:v4+s19+$0x0], $0xffff  }
0x164: {  	[tilespmem:s0+$0x0] =	vst v6  }
0x165: {  	s25 =	sadd.s32 $0x12000, s13;
	v6 =	vld.idx.msk [tilespmem:v7+s19+$0x0], $0xffff;
	[tilespmem:s22+$0x0] =	vst v2  }
0x166: {  	s26 =	sor.u32 s2, s25;
	v2 =	vld.idx.msk [tilespmem:v3+s19+$0x0], $0xffff  }
0x167: {  	s29 =	sor.u32 s1, s25;
	[tilespmem:s26+$0x0] =	vst v0  }
0x168: {  	[tilespmem:s29+$0x0] =	vst v1;
	v0 =	vld.idx.msk [tilespmem:v5+s20+$0x0], $0xffff  }
0x169: {  	s4 =	sor.u32 s11, s25;
	v1 =	vld.idx.msk [tilespmem:v4+s20+$0x0], $0xffff  }
0x16a: {  	s5 =	sor.u32 s10, s25;
	[tilespmem:s4+$0x0] =	vst v6  }
0x16b: {  	s6 =	sadd.s32 $0x13000, s13;
	v6 =	vld.idx.msk [tilespmem:v7+s20+$0x0], $0xffff;
	[tilespmem:s5+$0x0] =	vst v2  }
0x16c: {  	s7 =	sor.u32 s2, s6;
	v2 =	vld.idx.msk [tilespmem:v3+s20+$0x0], $0xffff  }
0x16d: {  	s8 =	sor.u32 s1, s6;
	[tilespmem:s7+$0x0] =	vst v0  }
0x16e: {  	[tilespmem:s8+$0x0] =	vst v1;
	v0 =	vld.idx.msk [tilespmem:v5+s15+$0x0], $0xffff  }
0x16f: {  	s0 =	sor.u32 s11, s6;
	v1 =	vld.idx.msk [tilespmem:v4+s15+$0x0], $0xffff  }
0x170: {  	s9 =	sor.u32 s10, s6;
	[tilespmem:s0+$0x0] =	vst v6  }
0x171: {  	s12 =	sadd.s32 $0x14000, s13;
	v6 =	vld.idx.msk [tilespmem:v7+s15+$0x0], $0xffff;
	[tilespmem:s9+$0x0] =	vst v2  }
0x172: {  	s22 =	sor.u32 s2, s12;
	v2 =	vld.idx.msk [tilespmem:v3+s15+$0x0], $0xffff  }
0x173: {  	s25 =	sor.u32 s1, s12;
	[tilespmem:s22+$0x0] =	vst v0  }
0x174: {  	[tilespmem:s25+$0x0] =	vst v1;
	v0 =	vld.idx.msk [tilespmem:v5+s16+$0x0], $0xffff  }
0x175: {  	s4 =	sor.u32 s11, s12;
	v1 =	vld.idx.msk [tilespmem:v4+s16+$0x0], $0xffff  }
0x176: {  	s26 =	sor.u32 s10, s12;
	[tilespmem:s4+$0x0] =	vst v6  }
0x177: {  	s29 =	sadd.s32 $0x15000, s13;
	v6 =	vld.idx.msk [tilespmem:v7+s16+$0x0], $0xffff;
	[tilespmem:s26+$0x0] =	vst v2  }
0x178: {  	s5 =	sor.u32 s2, s29;
	v2 =	vld.idx.msk [tilespmem:v3+s16+$0x0], $0xffff  }
0x179: {  	p0 =	por !p0, !p0;
	s6 =	sor.u32 s1, s29;
	[tilespmem:s5+$0x0] =	vst v0;
	s5 =	simm.s32 $0x1  }
0x17a: {  	[tilespmem:s6+$0x0] =	vst v1;
	v0 =	vld.idx.msk [tilespmem:v5+s28+$0x0], $0xffff;
	s5 =	simm.s32 @!p0 $0x0  }
0x17b: {  	s0 =	sor.u32 s11, s29;
	v1 =	vld.idx.msk [tilespmem:v4+s28+$0x0], $0xffff;
	s8 =	sshll.u32 s5, $0x6  }
0x17c: {  	s7 =	sor.u32 s10, s29;
	[tilespmem:s0+$0x0] =	vst v6;
	s0 =	sadd.s32 $0x80, s8  }
0x17d: {  	s4 =	sadd.s32 $0x16000, s13;
	v9 =	vld.idx.msk [tilespmem:v7+s28+$0x0], $0xffff;
	[tilespmem:s7+$0x0] =	vst v2;
	s12 =	sadd.s32 $0x30, s0  }
0x17e: {  	s9 =	sor.u32 s2, s4;
	v6 =	vld.idx.msk [tilespmem:v3+s28+$0x0], $0xffff;
	s7 =	sadd.s32 $0x20, s0;
	s5 =	sor.u32 $0x80, s12  }
0x17f: {  	s6 =	sor.u32 s1, s4;
	s25 =	sor.u32 $0x80, s7;
	[tilespmem:s9+$0x0] =	vst v0;
	v8 =	vld [tilespmem:s5+$0x3000]  }
0x180: {  	[tilespmem:s6+$0x0] =	vst v1;
	v1 =	vld [tilespmem:s25+$0x3000]  }
0x181: {  	v10 =	vld.idx.msk [tilespmem:v5+s24+$0x0], $0xffff  }
0x182: {  	s22 =	sadd.s32 $0x10, s0;
	s0 =	sor.u32 $0x80, s0;
	v11 =	vld.idx.msk [tilespmem:v4+s24+$0x0], $0xffff  }
0x183: {  	s26 =	sor.u32 s10, s4;
	s6 =	sor.u32 $0x80, s22;
	v0 =	vld [tilespmem:s0+$0x3000]  }
0x184: {  	s29 =	sadd.s32 $0x17000, s13;
	s4 =	sor.u32 s11, s4;
	v2 =	vld [tilespmem:s6+$0x3000];
	[tilespmem:s26+$0x0] =	vst v6  }
0x185: {  	[tilespmem:s4+$0x0] =	vst v9;
	s5 =	sor.u32 s2, s29;
	v6 =	vld.idx.msk [tilespmem:v3+s24+$0x0], $0xffff  }
0x186: {  	s6 =	sor.u32 s1, s29;
	[tilespmem:s5+$0x0] =	vst v10;
	v10 =	vld.idx.msk [tilespmem:v7+s24+$0x0], $0xffff  }
0x187: {  	[tilespmem:s6+$0x0] =	vst v11;
	v9 =	vld.idx.msk [tilespmem:v5+s14+$0x0], $0xffff  }
0x188: {  	s8 =	simm.s32 $0x200;
	v11 =	vld.idx.msk [tilespmem:v4+s14+$0x0], $0xffff  }
0x189: {  	s12 =	simm.s32 $0x10;
	s0 =	sand.u32 $0xFFFFF000, s8;
	s9 =	simm.s32 $0x40;
	v12 =	vld.idx.msk [tilespmem:v8+s23+$0x0], $0xffff  }
0x18a: {  	s0 =	ssub.s32 $0x200, s0;
	s5 =	sand.u32 $0x3FFFFF80, s12;
	s12 =	sor.u32 s10, s29;
	v14 =	vld.idx.msk [tilespmem:v1+s23+$0x0], $0xffff  }
0x18b: {  	s22 =	sor.u32 s11, s29;
	s0 =	sand.u32 $0xFFFFFC00, s0;
	s6 =	sadd.s32 $0x18000, s13;
	[tilespmem:s12+$0x0] =	vst v6;
	v15 =	vld.idx.msk [tilespmem:v0+s23+$0x0], $0xffff  }
0x18c: {  	s9 =	sand.u32 $0x40, s9;
	s8 =	sor.u32 s2, s6;
	s5 =	sadd.s32 s5, s0;
	v13 =	vld.idx.msk [tilespmem:v2+s23+$0x0], $0xffff;
	[tilespmem:s22+$0x0] =	vst v10  }
0x18d: {  	s4 =	sor.u32 $0x30, s9;
	s26 =	sadd.s32 $0x11000, s5;
	[tilespmem:s8+$0x0] =	vst v9;
	v9 =	vld.idx.msk [tilespmem:v3+s14+$0x0], $0xffff  }
0x18e: {  	s29 =	sor.u32 $0x20, s9;
	s8 =	sor.u32 s4, s26;
	v10 =	vld.idx.msk [tilespmem:v7+s14+$0x0], $0xffff  }
0x18f: {  	s14 =	sor.u32 s29, s26;
	v6 =	vld.idx.msk [tilespmem:v5+s17+$0x0], $0xffff;
	[tilespmem:s8+$0x0] =	vst v12  }
0x190: {  	s25 =	sor.u32 $0x10, s9;
	s7 =	sor.u32 s9, s26;
	[tilespmem:s14+$0x0] =	vst v14;
	v12 =	vld.idx.msk [tilespmem:v8+s19+$0x0], $0xffff  }
0x191: {  	s12 =	sor.u32 s25, s26;
	s26 =	sor.u32 s1, s6;
	[tilespmem:s7+$0x0] =	vst v15;
	v14 =	vld.idx.msk [tilespmem:v1+s19+$0x0], $0xffff  }
0x192: {  	[tilespmem:s26+$0x0] =	vst v11;
	v15 =	vld.idx.msk [tilespmem:v0+s19+$0x0], $0xffff  }
0x193: {  	s14 =	sor.u32 s10, s6;
	[tilespmem:s12+$0x0] =	vst v13;
	v11 =	vld.idx.msk [tilespmem:v4+s17+$0x0], $0xffff  }
0x194: {  	s8 =	sadd.s32 $0x19000, s13;
	s6 =	sor.u32 s11, s6;
	v13 =	vld.idx.msk [tilespmem:v2+s19+$0x0], $0xffff;
	[tilespmem:s14+$0x0] =	vst v9  }
0x195: {  	s22 =	sor.u32 s2, s8;
	s12 =	sadd.s32 $0x12000, s5;
	[tilespmem:s6+$0x0] =	vst v10;
	v9 =	vld.idx.msk [tilespmem:v3+s17+$0x0], $0xffff  }
0x196: {  	[tilespmem:s22+$0x0] =	vst v6;
	s22 =	sor.u32 s4, s12;
	v10 =	vld.idx.msk [tilespmem:v7+s17+$0x0], $0xffff  }
0x197: {  	s14 =	sor.u32 s29, s12;
	v6 =	vld.idx.msk [tilespmem:v5+s18+$0x0], $0xffff;
	[tilespmem:s22+$0x0] =	vst v12  }
0x198: {  	s26 =	sor.u32 s25, s12;
	s12 =	sor.u32 s9, s12;
	[tilespmem:s14+$0x0] =	vst v14;
	v12 =	vld.idx.msk [tilespmem:v8+s20+$0x0], $0xffff  }
0x199: {  	[tilespmem:s12+$0x0] =	vst v15;
	v14 =	vld.idx.msk [tilespmem:v1+s20+$0x0], $0xffff  }
0x19a: {  	s0 =	sadd.s32 $0x1A000, s13;
	[tilespmem:s26+$0x0] =	vst v13;
	v15 =	vld.idx.msk [tilespmem:v0+s20+$0x0], $0xffff;
	s26 =	sor.u32 s1, s8  }
0x19b: {  	s22 =	sor.u32 s2, s0;
	s12 =	sadd.s32 $0x13000, s5;
	v13 =	vld.idx.msk [tilespmem:v2+s20+$0x0], $0xffff;
	[tilespmem:s26+$0x0] =	vst v11  }
0x19c: {  	s14 =	sor.u32 s4, s12;
	v11 =	vld.idx.msk [tilespmem:v4+s18+$0x0], $0xffff;
	[tilespmem:s22+$0x0] =	vst v6  }
0x19d: {  	s26 =	sor.u32 s29, s12;
	v6 =	vld.idx.msk [tilespmem:v5+s21+$0x0], $0xffff;
	[tilespmem:s14+$0x0] =	vst v12  }
0x19e: {  	s22 =	sor.u32 s25, s12;
	s12 =	sor.u32 s9, s12;
	[tilespmem:s26+$0x0] =	vst v14;
	v12 =	vld.idx.msk [tilespmem:v8+s15+$0x0], $0xffff  }
0x19f: {  	[tilespmem:s12+$0x0] =	vst v15;
	v14 =	vld.idx.msk [tilespmem:v1+s15+$0x0], $0xffff  }
0x1a0: {  	s6 =	sadd.s32 $0x1B000, s13;
	s26 =	sor.u32 s11, s8;
	[tilespmem:s22+$0x0] =	vst v13;
	v15 =	vld.idx.msk [tilespmem:v0+s15+$0x0], $0xffff  }
0x1a1: {  	s14 =	sor.u32 s2, s6;
	[tilespmem:s26+$0x0] =	vst v10;
	v13 =	vld.idx.msk [tilespmem:v2+s15+$0x0], $0xffff  }
0x1a2: {  	s22 =	sor.u32 s10, s8;
	s8 =	sadd.s32 $0x14000, s5;
	[tilespmem:s14+$0x0] =	vst v6;
	v6 =	vld.idx.msk [tilespmem:v7+s18+$0x0], $0xffff  }
0x1a3: {  	[tilespmem:s22+$0x0] =	vst v9;
	s14 =	sor.u32 s4, s8;
	v9 =	vld.idx.msk [tilespmem:v5+s3+$0x0], $0xffff  }
0x1a4: {  	s26 =	sor.u32 s29, s8;
	v5 =	vld.idx.msk [tilespmem:v3+s18+$0x0], $0xffff;
	[tilespmem:s14+$0x0] =	vst v12  }
0x1a5: {  	s22 =	sor.u32 s25, s8;
	[tilespmem:s26+$0x0] =	vst v14;
	v10 =	vld.idx.msk [tilespmem:v8+s16+$0x0], $0xffff  }
0x1a6: {  	s14 =	sor.u32 s9, s8;
	[tilespmem:s22+$0x0] =	vst v13;
	v13 =	vld.idx.msk [tilespmem:v1+s16+$0x0], $0xffff  }
0x1a7: {  	s22 =	sor.u32 s1, s0;
	[tilespmem:s14+$0x0] =	vst v15;
	v12 =	vld.idx.msk [tilespmem:v2+s16+$0x0], $0xffff  }
0x1a8: {  	s26 =	sor.u32 s10, s0;
	s0 =	sor.u32 s11, s0;
	v14 =	vld.idx.msk [tilespmem:v0+s16+$0x0], $0xffff;
	[tilespmem:s22+$0x0] =	vst v11  }
0x1a9: {  	s12 =	sadd.s32 $0x15000, s5;
	v11 =	vld.idx.msk [tilespmem:v4+s21+$0x0], $0xffff;
	[tilespmem:s0+$0x0] =	vst v6  }
0x1aa: {  	s14 =	sor.u32 s4, s12;
	[tilespmem:s26+$0x0] =	vst v5;
	v15 =	vld.idx.msk [tilespmem:v7+s21+$0x0], $0xffff  }
0x1ab: {  	s22 =	sor.u32 s25, s12;
	[tilespmem:s14+$0x0] =	vst v10;
	v5 =	vld.idx.msk [tilespmem:v3+s21+$0x0], $0xffff  }
0x1ac: {  	s26 =	sor.u32 s29, s12;
	[tilespmem:s22+$0x0] =	vst v12;
	v10 =	vld.idx.msk [tilespmem:v8+s28+$0x0], $0xffff  }
0x1ad: {  	p0 =	por !p0, !p0;
	s0 =	simm.s32 $0x1;
	s14 =	sor.u32 s9, s12;
	[tilespmem:s26+$0x0] =	vst v13;
	v12 =	vld.idx.msk [tilespmem:v2+s28+$0x0], $0xffff  }
0x1ae: {  	s0 =	simm.s32 @!p0 $0x0;
	[tilespmem:s14+$0x0] =	vst v14;
	v13 =	vld.idx.msk [tilespmem:v1+s28+$0x0], $0xffff;
	s22 =	sor.u32 s1, s6  }
0x1af: {  	s26 =	sor.u32 s10, s6;
	s12 =	sadd.s32 $0x16000, s5;
	s0 =	sshll.u32 s0, $0x6;
	v14 =	vld.idx.msk [tilespmem:v0+s28+$0x0], $0xffff;
	[tilespmem:s22+$0x0] =	vst v11  }
0x1b0: {  	s14 =	sor.u32 s4, s12;
	s0 =	sadd.s32 $0x100, s0;
	v11 =	vld.idx.msk [tilespmem:v4+s3+$0x0], $0xffff;
	[tilespmem:s26+$0x0] =	vst v5  }
0x1b1: {  	s22 =	sor.u32 s25, s12;
	s26 =	sadd.s32 $0x30, s0;
	[tilespmem:s14+$0x0] =	vst v10;
	v10 =	vld.idx.msk [tilespmem:v3+s3+$0x0], $0xffff  }
0x1b2: {  	s7 =	sor.u32 $0x80, s26;
	[tilespmem:s22+$0x0] =	vst v12;
	v12 =	vld.idx.msk [tilespmem:v8+s24+$0x0], $0xffff  }
0x1b3: {  	s14 =	sadd.s32 $0x10, s0;
	s26 =	sadd.s32 $0x20, s0;
	s0 =	sor.u32 $0x80, s0;
	v4 =	vld [tilespmem:s7+$0x3000]  }
0x1b4: {  	s8 =	sor.u32 $0x80, s14;
	v3 =	vld [tilespmem:s0+$0x3000]  }
0x1b5: {  	s6 =	sor.u32 s11, s6;
	s14 =	sor.u32 $0x80, s26;
	v5 =	vld [tilespmem:s8+$0x3000]  }
0x1b6: {  	[tilespmem:s6+$0x0] =	vst v15;
	s26 =	sor.u32 s29, s12;
	v6 =	vld [tilespmem:s14+$0x3000]  }
0x1b7: {  	s7 =	sadd.s32 $0x17000, s5;
	v16 =	vld.idx.msk [tilespmem:v2+s24+$0x0], $0xffff;
	[tilespmem:s26+$0x0] =	vst v13;
	s26 =	sor.u32 s9, s12  }
0x1b8: {  	s0 =	sadd.s32 $0x1C000, s13;
	s14 =	sor.u32 s4, s7;
	v13 =	vld.idx.msk [tilespmem:v1+s24+$0x0], $0xffff;
	[tilespmem:s26+$0x0] =	vst v14  }
0x1b9: {  	s22 =	simm.s32 $0x1C00;
	s2 =	sor.u32 s2, s0;
	v14 =	vld.idx.msk [tilespmem:v0+s24+$0x0], $0xffff;
	[tilespmem:s14+$0x0] =	vst v12  }
0x1ba: {  	s30 =	simm.s32 $0x80;
	s13 =	simm.s32 $0x400;
	s1 =	sor.u32 s1, s0;
	[tilespmem:s2+$0x0] =	vst v9;
	v12 =	vld.idx.msk [tilespmem:v8+s22+$0x0], $0xffff  }
0x1bb: {  	s6 =	sadd.s32 $0x18000, s5;
	s12 =	sor.u32 s25, s7;
	s2 =	sand.u32 $0xFFFFF000, s13;
	[tilespmem:s1+$0x0] =	vst v11;
	v15 =	vld.idx.msk [tilespmem:v4+s23+$0x0], $0xffff  }
0x1bc: {  	s26 =	simm.s32 $0x20;
	s24 =	ssub.s32 $0x400, s2;
	s14 =	sor.u32 s10, s0;
	[tilespmem:s12+$0x0] =	vst v16;
	v63 =	vld.idx.msk [tilespmem:v3+s23+$0x0], $0xffff  }
0x1bd: {  	s2 =	sand.u32 $0x3FFFFF80, s26;
	s10 =	sand.u32 $0xFFFFFC00, s24;
	[tilespmem:s14+$0x0] =	vst v10;
	s14 =	sor.u32 s29, s7;
	v11 =	vld.idx.msk [tilespmem:v5+s23+$0x0], $0xffff  }
0x1be: {  	s1 =	sand.u32 $0x40, s30;
	s13 =	sadd.s32 s2, s10;
	[tilespmem:s14+$0x0] =	vst v13;
	v10 =	vld.idx.msk [tilespmem:v6+s23+$0x0], $0xffff;
	s23 =	sor.u32 s9, s7  }
0x1bf: {  	s26 =	sor.u32 $0x30, s1;
	s12 =	sor.u32 s4, s6;
	v9 =	vld.idx.msk [tilespmem:v2+s22+$0x0], $0xffff;
	s24 =	sadd.s32 $0x11000, s13;
	[tilespmem:s23+$0x0] =	vst v14  }
0x1c0: {  	s8 =	sor.u32 s26, s24;
	v13 =	vld.idx.msk [tilespmem:v1+s22+$0x0], $0xffff;
	[tilespmem:s12+$0x0] =	vst v12  }
0x1c1: {  	s31 =	sor.u32 $0x10, s1;
	s7 =	sor.u32 s1, s24;
	v14 =	vld.idx.msk [tilespmem:v0+s22+$0x0], $0xffff;
	[tilespmem:s8+$0x0] =	vst v15  }
0x1c2: {  	s12 =	sor.u32 s31, s24;
	v12 =	vld.idx.msk [tilespmem:v8+s17+$0x0], $0xffff;
	[tilespmem:s7+$0x0] =	vst v63  }
0x1c3: {  	s10 =	sor.u32 $0x20, s1;
	s23 =	sor.u32 s25, s6;
	[tilespmem:s12+$0x0] =	vst v11;
	v11 =	vld.idx.msk [tilespmem:v4+s19+$0x0], $0xffff  }
0x1c4: {  	s14 =	sor.u32 s10, s24;
	[tilespmem:s23+$0x0] =	vst v9;
	v16 =	vld.idx.msk [tilespmem:v3+s19+$0x0], $0xffff  }
0x1c5: {  	s2 =	sadd.s32 $0x19000, s5;
	s24 =	sor.u32 s29, s6;
	[tilespmem:s14+$0x0] =	vst v10;
	v15 =	vld.idx.msk [tilespmem:v5+s19+$0x0], $0xffff  }
0x1c6: {  	s22 =	sor.u32 s4, s2;
	[tilespmem:s24+$0x0] =	vst v13;
	v10 =	vld.idx.msk [tilespmem:v6+s19+$0x0], $0xffff  }
0x1c7: {  	s6 =	sor.u32 s9, s6;
	s12 =	sadd.s32 $0x12000, s13;
	[tilespmem:s22+$0x0] =	vst v12;
	v12 =	vld.idx.msk [tilespmem:v2+s17+$0x0], $0xffff  }
0x1c8: {  	s14 =	sor.u32 s26, s12;
	[tilespmem:s6+$0x0] =	vst v14;
	v9 =	vld.idx.msk [tilespmem:v8+s18+$0x0], $0xffff  }
0x1c9: {  	s8 =	sor.u32 s1, s12;
	[tilespmem:s14+$0x0] =	vst v11;
	v11 =	vld.idx.msk [tilespmem:v1+s17+$0x0], $0xffff  }
0x1ca: {  	s22 =	sor.u32 s31, s12;
	[tilespmem:s8+$0x0] =	vst v16;
	v13 =	vld.idx.msk [tilespmem:v4+s20+$0x0], $0xffff  }
0x1cb: {  	s23 =	sor.u32 s10, s12;
	[tilespmem:s22+$0x0] =	vst v15;
	v16 =	vld.idx.msk [tilespmem:v3+s20+$0x0], $0xffff  }
0x1cc: {  	s7 =	sadd.s32 $0x1A000, s5;
	s12 =	sor.u32 s25, s2;
	s14 =	sadd.s32 $0x13000, s13;
	[tilespmem:s23+$0x0] =	vst v10;
	v15 =	vld.idx.msk [tilespmem:v5+s20+$0x0], $0xffff  }
0x1cd: {  	s24 =	sor.u32 s4, s7;
	s22 =	sor.u32 s26, s14;
	s23 =	sor.u32 s31, s14;
	v10 =	vld.idx.msk [tilespmem:v6+s20+$0x0], $0xffff;
	[tilespmem:s12+$0x0] =	vst v12  }
0x1ce: {  	s6 =	sor.u32 s1, s14;
	v12 =	vld.idx.msk [tilespmem:v0+s17+$0x0], $0xffff;
	[tilespmem:s24+$0x0] =	vst v9;
	s24 =	sor.u32 s10, s14;
	s14 =	sor.u32 s29, s2  }
0x1cf: {  	v9 =	vld.idx.msk [tilespmem:v8+s21+$0x0], $0xffff;
	[tilespmem:s14+$0x0] =	vst v11  }
0x1d0: {  	[tilespmem:s22+$0x0] =	vst v13;
	v13 =	vld.idx.msk [tilespmem:v2+s18+$0x0], $0xffff  }
0x1d1: {  	v11 =	vld.idx.msk [tilespmem:v1+s18+$0x0], $0xffff  }
0x1d2: {  	[tilespmem:s23+$0x0] =	vst v15;
	v14 =	vld.idx.msk [tilespmem:v4+s15+$0x0], $0xffff  }
0x1d3: {  	s8 =	sadd.s32 $0x1B000, s5;
	[tilespmem:s24+$0x0] =	vst v10;
	v15 =	vld.idx.msk [tilespmem:v5+s15+$0x0], $0xffff  }
0x1d4: {  	s12 =	sor.u32 s4, s8;
	[tilespmem:s6+$0x0] =	vst v16;
	v10 =	vld.idx.msk [tilespmem:v6+s15+$0x0], $0xffff  }
0x1d5: {  	s17 =	sadd.s32 $0x14000, s13;
	s2 =	sor.u32 s9, s2;
	[tilespmem:s12+$0x0] =	vst v9;
	v9 =	vld.idx.msk [tilespmem:v3+s15+$0x0], $0xffff  }
0x1d6: {  	s22 =	sor.u32 s26, s17;
	[tilespmem:s2+$0x0] =	vst v12;
	v8 =	vld.idx.msk [tilespmem:v8+s3+$0x0], $0xffff  }
0x1d7: {  	s23 =	sor.u32 s31, s17;
	[tilespmem:s22+$0x0] =	vst v14;
	v14 =	vld.idx.msk [tilespmem:v0+s18+$0x0], $0xffff  }
0x1d8: {  	s24 =	sor.u32 s10, s17;
	[tilespmem:s23+$0x0] =	vst v15;
	v12 =	vld.idx.msk [tilespmem:v4+s16+$0x0], $0xffff  }
0x1d9: {  	s12 =	sor.u32 s25, s7;
	[tilespmem:s24+$0x0] =	vst v10;
	v15 =	vld.idx.msk [tilespmem:v5+s16+$0x0], $0xffff  }
0x1da: {  	s6 =	sor.u32 s1, s17;
	[tilespmem:s12+$0x0] =	vst v13;
	v10 =	vld.idx.msk [tilespmem:v6+s16+$0x0], $0xffff  }
0x1db: {  	s5 =	sadd.s32 $0x1C000, s5;
	s14 =	sor.u32 s29, s7;
	[tilespmem:s6+$0x0] =	vst v9;
	v9 =	vld.idx.msk [tilespmem:v2+s21+$0x0], $0xffff  }
0x1dc: {  	s15 =	sadd.s32 $0x15000, s13;
	[tilespmem:s14+$0x0] =	vst v11;
	s6 =	sor.u32 s4, s5;
	v16 =	vld.idx.msk [tilespmem:v3+s16+$0x0], $0xffff  }
0x1dd: {  	p0 =	por !p0, !p0;
	s17 =	sor.u32 s9, s7;
	[tilespmem:s6+$0x0] =	vst v8;
	v8 =	vld.idx.msk [tilespmem:v7+s3+$0x0], $0xffff;
	s16 =	sor.u32 s26, s15  }
0x1de: {  	s2 =	sor.u32 s11, s0;
	s11 =	sor.u32 s9, s8;
	s18 =	sor.u32 s31, s15;
	v7 =	vld.idx.msk [tilespmem:v1+s21+$0x0], $0xffff;
	[tilespmem:s16+$0x0] =	vst v12  }
0x1df: {  	s7 =	sor.u32 s25, s5;
	s22 =	sor.u32 s10, s15;
	s23 =	simm.s32 $0x1400;
	[tilespmem:s18+$0x0] =	vst v15;
	v13 =	vld.idx.msk [tilespmem:v4+s28+$0x0], $0xffff  }
0x1e0: {  	s12 =	sor.u32 s25, s8;
	s8 =	sor.u32 s29, s8;
	s24 =	sor.u32 s1, s15;
	[tilespmem:s22+$0x0] =	vst v10;
	v12 =	vld.idx.msk [tilespmem:v5+s23+$0x0], $0xffff  }
0x1e1: {  	s4 =	simm.s32 $0x100;
	s6 =	sor.u32 s29, s5;
	s21 =	simm.s32 $0xC00;
	v10 =	vld.idx.msk [tilespmem:v6+s23+$0x0], $0xffff;
	[tilespmem:s24+$0x0] =	vst v16  }
0x1e2: {  	[tilespmem:s17+$0x0] =	vst v14;
	s28 =	sor.u32 s9, s5;
	s5 =	simm.s32 $0x80;
	s9 =	simm.s32 $0x400;
	v11 =	vld.idx.msk [tilespmem:v3+s23+$0x0], $0xffff  }
.LBB2_15:
0x1e3: {  	s0 =	simm.s32 $0x1;
	s14 =	sadd.s32 $0x16000, s13;
	s23 =	simm.s32 $0x2800  }
0x1e4: {  	[tilespmem:s12+$0x0] =	vst v9;
	s4 =	sadd.s32 $0x80, s4;
	s3 =	simm.s32 $0x2C00;
	s0 =	simm.s32 @!p0 $0x0;
	v14 =	vld.idx.msk [tilespmem:v0+s23+$0x0], $0xffff  }
0x1e5: {  	s18 =	simm.s32 $0x1800;
	s12 =	sor.u32 s26, s14;
	s0 =	sshll.u32 s0, $0x6;
	v9 =	vld.idx.msk [tilespmem:v2+s3+$0x0], $0xffff;
	[tilespmem:s8+$0x0] =	vst v7;
	v2 =	vmov v5  }
0x1e6: {  	s15 =	sor.u32 s31, s14;
	s8 =	sor.u32 s1, s14;
	s0 =	sadd.s32 s0, s4;
	[tilespmem:s12+$0x0] =	vst v13;
	v13 =	vld.idx.msk [tilespmem:v1+s3+$0x0], $0xffff;
	v1 =	vmov v6  }
0x1e7: {  	s12 =	sadd.s32 $0x10, s0;
	s16 =	sadd.s32 $0x20, s0;
	s17 =	sadd.s32 $0x30, s0;
	[tilespmem:s15+$0x0] =	vst v12;
	v12 =	vld.idx.msk [tilespmem:v4+s18+$0x0], $0xffff  }
0x1e8: {  	s12 =	sor.u32 $0x80, s12;
	s15 =	sor.u32 $0x80, s16;
	s16 =	sor.u32 $0x80, s17;
	v15 =	vld.idx.msk [tilespmem:v5+s18+$0x0], $0xffff;
	[tilespmem:s2+$0x0] =	vst v8  }
0x1e9: {  	s0 =	sor.u32 $0x80, s0;
	s2 =	smov.u32 s28;
	v8 =	vld [tilespmem:s16+$0x3000];
	[tilespmem:s8+$0x0] =	vst v11;
	s8 =	sor.u32 s10, s14  }
0x1ea: {  	v5 =	vld [tilespmem:s12+$0x3000];
	[tilespmem:s8+$0x0] =	vst v10  }
0x1eb: {  	s8 =	sadd.s32 $0x17000, s13;
	v6 =	vld [tilespmem:s15+$0x3000];
	[tilespmem:s11+$0x0] =	vst v14  }
0x1ec: {  	s11 =	sor.u32 s1, s8;
	s12 =	sor.u32 s26, s8;
	v7 =	vld [tilespmem:s0+$0x3000];
	s0 =	sor.u32 s31, s8;
	[tilespmem:s7+$0x0] =	vst v9  }
0x1ed: {  	s17 =	simm.s32 $0x1C00;
	s7 =	sor.u32 s10, s8;
	v9 =	vld.idx.msk [tilespmem:v1+s18+$0x0], $0xffff;
	[tilespmem:s12+$0x0] =	vst v12  }
0x1ee: {  	[tilespmem:s0+$0x0] =	vst v15;
	v10 =	vld.idx.msk [tilespmem:v4+s17+$0x0], $0xffff  }
0x1ef: {  	s5 =	sadd.s32 $0x40, s5;
	v11 =	vld.idx.msk [tilespmem:v3+s18+$0x0], $0xffff;
	[tilespmem:s6+$0x0] =	vst v13  }
0x1f0: {  	s30 =	sadd.s32 $0x40, s30;
	s14 =	simm.s32 $0x0;
	s0 =	sshll.u32 s5, $0x3;
	v12 =	vld.idx.msk [tilespmem:v2+s17+$0x0], $0xffff  }
0x1f1: {  	s9 =	sadd.s32 $0x200, s9;
	s24 =	simm.s32 $0x2000;
	s0 =	sand.u32 $0xFFFFF000, s0;
	v13 =	vld.idx.msk [tilespmem:v8+s14+$0x0], $0xffff  }
0x1f2: {  	s12 =	sadd.s32 $0x18000, s13;
	s6 =	sshrl.u32 s30, $0x2;
	s0 =	ssub.s32 s9, s0;
	v14 =	vld.idx.msk [tilespmem:v5+s14+$0x0], $0xffff  }
0x1f3: {  	s6 =	sand.u32 $0x3FFFFF80, s6;
	s8 =	sand.u32 $0xFFFFFC00, s0;
	v15 =	vld.idx.msk [tilespmem:v6+s14+$0x0], $0xffff;
	[tilespmem:s7+$0x0] =	vst v9;
	s7 =	sor.u32 s26, s12  }
0x1f4: {  	s0 =	sand.u32 $0x40, s30;
	s6 =	sadd.s32 s6, s8;
	s8 =	sor.u32 s1, s12;
	v9 =	vld.idx.msk [tilespmem:v7+s14+$0x0], $0xffff;
	[tilespmem:s7+$0x0] =	vst v10  }
0x1f5: {  	s25 =	sor.u32 $0x30, s0;
	s7 =	sadd.s32 $0x11000, s6;
	s14 =	sor.u32 $0x10, s0;
	[tilespmem:s11+$0x0] =	vst v11;
	v10 =	vld.idx.msk [tilespmem:v4+s24+$0x0], $0xffff  }
0x1f6: {  	s29 =	sor.u32 $0x20, s0;
	s11 =	sor.u32 s0, s7;
	s15 =	sor.u32 s25, s7;
	v11 =	vld.idx.msk [tilespmem:v1+s17+$0x0], $0xffff  }
0x1f7: {  	s16 =	sor.u32 s14, s7;
	s7 =	sor.u32 s29, s7;
	[tilespmem:s15+$0x0] =	vst v13;
	v13 =	vld.idx.msk [tilespmem:v3+s17+$0x0], $0xffff;
	s15 =	sor.u32 s31, s12  }
0x1f8: {  	p1 =	slt.u32 s30, $0xFC0;
	s12 =	sor.u32 s10, s12;
	[tilespmem:s16+$0x0] =	vst v14;
	v14 =	vld.idx.msk [tilespmem:v8+s19+$0x0], $0xffff  }
0x1f9: {  	s16 =	sadd.s32 $0x19000, s13;
	v16 =	vld.idx.msk [tilespmem:v5+s19+$0x0], $0xffff;
	[tilespmem:s7+$0x0] =	vst v15  }
0x1fa: {  	s7 =	sor.u32 s1, s16;
	s17 =	sor.u32 s26, s16;
	[tilespmem:s11+$0x0] =	vst v9;
	v9 =	vld.idx.msk [tilespmem:v6+s19+$0x0], $0xffff;
	s11 =	sor.u32 s31, s16  }
0x1fb: {  	s22 =	simm.s32 $0x2400;
	s28 =	sor.u32 s10, s16;
	v15 =	vld.idx.msk [tilespmem:v7+s19+$0x0], $0xffff;
	[tilespmem:s17+$0x0] =	vst v10  }
0x1fc: {  	s16 =	sadd.s32 $0x12000, s6;
	[tilespmem:s15+$0x0] =	vst v12;
	v10 =	vld.idx.msk [tilespmem:v4+s22+$0x0], $0xffff  }
0x1fd: {  	s17 =	sor.u32 s14, s16;
	s18 =	sor.u32 s25, s16;
	s15 =	sor.u32 s0, s16;
	v12 =	vld.idx.msk [tilespmem:v2+s24+$0x0], $0xffff;
	[tilespmem:s12+$0x0] =	vst v11  }
0x1fe: {  	s12 =	sor.u32 s29, s16;
	[tilespmem:s18+$0x0] =	vst v14;
	v11 =	vld.idx.msk [tilespmem:v1+s24+$0x0], $0xffff  }
0x1ff: {  	[tilespmem:s17+$0x0] =	vst v16;
	v14 =	vld.idx.msk [tilespmem:v8+s20+$0x0], $0xffff  }
0x200: {  	v16 =	vld.idx.msk [tilespmem:v5+s20+$0x0], $0xffff;
	[tilespmem:s12+$0x0] =	vst v9;
	s12 =	sadd.s32 $0x1A000, s13  }
0x201: {  	[tilespmem:s15+$0x0] =	vst v15;
	v9 =	vld.idx.msk [tilespmem:v6+s20+$0x0], $0xffff;
	s15 =	sor.u32 s1, s12;
	s17 =	sor.u32 s31, s12;
	s18 =	sor.u32 s26, s12  }
0x202: {  	s16 =	sor.u32 s10, s12;
	v15 =	vld.idx.msk [tilespmem:v7+s20+$0x0], $0xffff;
	[tilespmem:s18+$0x0] =	vst v10  }
0x203: {  	s12 =	sadd.s32 $0x13000, s6;
	[tilespmem:s8+$0x0] =	vst v13;
	v10 =	vld.idx.msk [tilespmem:v4+s23+$0x0], $0xffff  }
0x204: {  	s18 =	sor.u32 s14, s12;
	s19 =	sor.u32 s25, s12;
	s8 =	sor.u32 s0, s12;
	v13 =	vld.idx.msk [tilespmem:v3+s24+$0x0], $0xffff;
	[tilespmem:s11+$0x0] =	vst v12  }
0x205: {  	s11 =	sor.u32 s29, s12;
	[tilespmem:s19+$0x0] =	vst v14;
	v12 =	vld.idx.msk [tilespmem:v2+s22+$0x0], $0xffff  }
0x206: {  	[tilespmem:s18+$0x0] =	vst v16;
	v14 =	vld.idx.msk [tilespmem:v8+s21+$0x0], $0xffff  }
0x207: {  	s18 =	sadd.s32 $0x1B000, s13;
	v16 =	vld.idx.msk [tilespmem:v5+s21+$0x0], $0xffff;
	[tilespmem:s11+$0x0] =	vst v9  }
0x208: {  	s11 =	sor.u32 s1, s18;
	s12 =	sor.u32 s31, s18;
	s19 =	sor.u32 s26, s18;
	[tilespmem:s8+$0x0] =	vst v15;
	v9 =	vld.idx.msk [tilespmem:v6+s21+$0x0], $0xffff  }
0x209: {  	s8 =	sor.u32 s10, s18;
	v15 =	vld.idx.msk [tilespmem:v7+s21+$0x0], $0xffff;
	[tilespmem:s19+$0x0] =	vst v10  }
0x20a: {  	s18 =	sadd.s32 $0x14000, s6;
	[tilespmem:s28+$0x0] =	vst v11;
	v10 =	vld.idx.msk [tilespmem:v4+s3+$0x0], $0xffff;
	v4 =	vmov v8  }
0x20b: {  	s19 =	sor.u32 s0, s18;
	s20 =	sor.u32 s14, s18;
	s28 =	sor.u32 s25, s18;
	[tilespmem:s7+$0x0] =	vst v13;
	v11 =	vld.idx.msk [tilespmem:v1+s22+$0x0], $0xffff  }
0x20c: {  	s7 =	sor.u32 s29, s18;
	[tilespmem:s28+$0x0] =	vst v14;
	v14 =	vld.idx.msk [tilespmem:v3+s22+$0x0], $0xffff;
	s22 =	simm.s32 $0x1000  }
0x20d: {  	s18 =	sadd.s32 $0x1C000, s13;
	[tilespmem:s20+$0x0] =	vst v16;
	s20 =	simm.s32 $0x800;
	v13 =	vld.idx.msk [tilespmem:v8+s22+$0x0], $0xffff  }
0x20e: {  	s24 =	simm.s32 $0x1000;
	s13 =	smov.u32 s6;
	s28 =	sor.u32 s1, s18;
	v16 =	vld.idx.msk [tilespmem:v5+s22+$0x0], $0xffff;
	[tilespmem:s7+$0x0] =	vst v9  }
0x20f: {  	s1 =	sor.u32 s26, s18;
	s7 =	sor.u32 s31, s18;
	[tilespmem:s19+$0x0] =	vst v15;
	s19 =	simm.s32 $0x400;
	v15 =	vld.idx.msk [tilespmem:v6+s22+$0x0], $0xffff  }
0x210: {  	s6 =	sor.u32 s10, s18;
	s31 =	smov.u32 s14;
	v17 =	vld.idx.msk [tilespmem:v7+s22+$0x0], $0xffff;
	[tilespmem:s1+$0x0] =	vst v10;
	s1 =	smov.u32 s0  }
0x211: {  	s26 =	smov.u32 s25;
	s10 =	smov.u32 s29;
	s0 =	sadd.s32 $0x15000, s13;
	[tilespmem:s17+$0x0] =	vst v12;
	v8 =	vld.idx.msk [tilespmem:v0+s3+$0x0], $0xffff;
	v0 =	vmov v3;
	v3 =	vmov v7  }
0x212: {  	s14 =	sor.u32 s1, s0;
	s17 =	sor.u32 s31, s0;
	s18 =	sor.u32 s26, s0;
	v9 =	vld.idx.msk [tilespmem:v2+s23+$0x0], $0xffff;
	[tilespmem:s16+$0x0] =	vst v11  }
.Ltmp9:
0x213: {  	s0 =	sor.u32 s10, s0;
	s3 =	simm.s32 $0x1400;
	[tilespmem:s18+$0x0] =	vst v13;
	v7 =	vld.idx.msk [tilespmem:v1+s23+$0x0], $0xffff;
	(pc) =	sbr.rel @p1 .LBB2_15-.Ltmp9, $4  }
0x214: {  	[tilespmem:s17+$0x0] =	vst v16;
	v13 =	vld.idx.msk [tilespmem:v4+s3+$0x0], $0xffff  }
0x215: {  	v12 =	vld.idx.msk [tilespmem:v5+s3+$0x0], $0xffff;
	[tilespmem:s0+$0x0] =	vst v15  }
0x216: {  	[tilespmem:s14+$0x0] =	vst v17;
	v10 =	vld.idx.msk [tilespmem:v6+s3+$0x0], $0xffff  }
0x217: {  	p0 =	por !p0, !p0;
	v11 =	vld.idx.msk [tilespmem:v3+s3+$0x0], $0xffff;
	[tilespmem:s15+$0x0] =	vst v14  }
0x218: {  	_ = 	snop  }
0x219: {  	s0 =	sadd.s32 $0x16000, s13  }
0x21a: {  	s4 =	sor.u32 s26, s0  }
0x21b: {  	s3 =	simm.s32 $0x1800;
	s23 =	sor.u32 s31, s0;
	[tilespmem:s4+$0x0] =	vst v13  }
0x21c: {  	s25 =	sor.u32 s10, s0;
	[tilespmem:s23+$0x0] =	vst v12;
	v13 =	vld.idx.msk [tilespmem:v4+s3+$0x0], $0xffff  }
0x21d: {  	s0 =	sor.u32 s1, s0;
	v12 =	vld.idx.msk [tilespmem:v5+s3+$0x0], $0xffff;
	[tilespmem:s25+$0x0] =	vst v10  }
0x21e: {  	[tilespmem:s0+$0x0] =	vst v11;
	v10 =	vld.idx.msk [tilespmem:v6+s3+$0x0], $0xffff  }
0x21f: {  	s29 =	sadd.s32 $0x17000, s13;
	v11 =	vld.idx.msk [tilespmem:v3+s3+$0x0], $0xffff  }
0x220: {  	s30 =	sor.u32 s26, s29  }
0x221: {  	s5 =	simm.s32 $0x1C00;
	s3 =	sor.u32 s31, s29;
	[tilespmem:s30+$0x0] =	vst v13  }
0x222: {  	s9 =	sor.u32 s10, s29;
	[tilespmem:s3+$0x0] =	vst v12;
	v13 =	vld.idx.msk [tilespmem:v4+s5+$0x0], $0xffff  }
0x223: {  	s0 =	sor.u32 s1, s29;
	v12 =	vld.idx.msk [tilespmem:v5+s5+$0x0], $0xffff;
	[tilespmem:s9+$0x0] =	vst v10  }
0x224: {  	[tilespmem:s0+$0x0] =	vst v11;
	v10 =	vld.idx.msk [tilespmem:v6+s5+$0x0], $0xffff  }
0x225: {  	s14 =	sadd.s32 $0x18000, s13;
	v11 =	vld.idx.msk [tilespmem:v3+s5+$0x0], $0xffff  }
0x226: {  	s15 =	sor.u32 s26, s14  }
0x227: {  	s16 =	simm.s32 $0x2000;
	s17 =	sor.u32 s31, s14;
	[tilespmem:s15+$0x0] =	vst v13  }
0x228: {  	s18 =	sor.u32 s10, s14;
	[tilespmem:s17+$0x0] =	vst v12;
	v13 =	vld.idx.msk [tilespmem:v4+s16+$0x0], $0xffff  }
0x229: {  	s4 =	sor.u32 s1, s14;
	v12 =	vld.idx.msk [tilespmem:v5+s16+$0x0], $0xffff;
	[tilespmem:s18+$0x0] =	vst v10  }
0x22a: {  	v10 =	vld.idx.msk [tilespmem:v6+s16+$0x0], $0xffff;
	[tilespmem:s4+$0x0] =	vst v11  }
0x22b: {  	s21 =	sadd.s32 $0x19000, s13;
	v11 =	vld.idx.msk [tilespmem:v3+s16+$0x0], $0xffff  }
0x22c: {  	[tilespmem:s12+$0x0] =	vst v9;
	s22 =	sor.u32 s26, s21  }
0x22d: {  	s23 =	sor.u32 s31, s21;
	s25 =	simm.s32 $0x2400;
	[tilespmem:s22+$0x0] =	vst v13  }
0x22e: {  	s29 =	sor.u32 s10, s21;
	[tilespmem:s23+$0x0] =	vst v12;
	v51 =	vld.idx.msk [tilespmem:v4+s25+$0x0], $0xffff  }
0x22f: {  	s0 =	sor.u32 s1, s21;
	[tilespmem:s29+$0x0] =	vst v10;
	v52 =	vld.idx.msk [tilespmem:v5+s25+$0x0], $0xffff  }
0x230: {  	[tilespmem:s0+$0x0] =	vst v11;
	v53 =	vld.idx.msk [tilespmem:v6+s25+$0x0], $0xffff  }
0x231: {  	[tilespmem:s8+$0x0] =	vst v7;
	s8 =	simm.s32 $0x2800;
	s30 =	sadd.s32 $0x1A000, s13;
	v54 =	vld.idx.msk [tilespmem:v3+s25+$0x0], $0xffff  }
0x232: {  	[tilespmem:s2+$0x0] =	vst v8;
	s12 =	simm.s32 $0x2C00;
	v55 =	vld.idx.msk [tilespmem:v0+s8+$0x0], $0xffff;
	s5 =	sor.u32 s26, s30  }
0x233: {  	v2 =	vld.idx.msk [tilespmem:v2+s12+$0x0], $0xffff;
	s9 =	sor.u32 s31, s30;
	[tilespmem:s5+$0x0] =	vst v51  }
0x234: {  	s14 =	sor.u32 s10, s30;
	[tilespmem:s9+$0x0] =	vst v52;
	v56 =	vld.idx.msk [tilespmem:v4+s8+$0x0], $0xffff  }
0x235: {  	s0 =	sor.u32 s1, s30;
	[tilespmem:s14+$0x0] =	vst v53;
	v10 =	vld.idx.msk [tilespmem:v5+s8+$0x0], $0xffff  }
0x236: {  	[tilespmem:s0+$0x0] =	vst v54;
	v57 =	vld.idx.msk [tilespmem:v6+s8+$0x0], $0xffff  }
0x237: {  	[tilespmem:s11+$0x0] =	vst v55;
	s15 =	sadd.s32 $0x1B000, s13;
	v58 =	vld.idx.msk [tilespmem:v3+s8+$0x0], $0xffff  }
0x238: {  	v1 =	vld.idx.msk [tilespmem:v1+s12+$0x0], $0xffff;
	[tilespmem:s7+$0x0] =	vst v2;
	s16 =	sor.u32 s26, s15  }
0x239: {  	v60 =	vld.idx.msk [tilespmem:v0+s12+$0x0], $0xffff;
	s17 =	sor.u32 s31, s15;
	[tilespmem:s16+$0x0] =	vst v56  }
0x23a: {  	s18 =	sor.u32 s10, s15;
	[tilespmem:s17+$0x0] =	vst v10;
	v59 =	vld.idx.msk [tilespmem:v4+s12+$0x0], $0xffff  }
0x23b: {  	s0 =	sor.u32 s1, s15;
	[tilespmem:s18+$0x0] =	vst v57;
	v61 =	vld.idx.msk [tilespmem:v5+s12+$0x0], $0xffff  }
0x23c: {  	[tilespmem:s0+$0x0] =	vst v58;
	v62 =	vld.idx.msk [tilespmem:v6+s12+$0x0], $0xffff  }
0x23d: {  	[tilespmem:s6+$0x0] =	vst v1;
	s21 =	sadd.s32 $0x1C000, s13;
	v63 =	vld.idx.msk [tilespmem:v3+s12+$0x0], $0xffff  }
0x23e: {  	[tilespmem:s28+$0x0] =	vst v60;
	s22 =	sor.u32 s26, s21  }
0x23f: {  	s23 =	sor.u32 s31, s21;
	[tilespmem:s22+$0x0] =	vst v59  }
0x240: {  	s25 =	sor.u32 s10, s21;
	[tilespmem:s23+$0x0] =	vst v61  }
0x241: {  	s0 =	sor.u32 s1, s21;
	[tilespmem:s25+$0x0] =	vst v62  }
0x242: {  	s2 =	rddreg [dreg:$0xe];
	[tilespmem:s0+$0x0] =	vst v63  }
0x243: {  	s28 =	rddreg [dreg:$0xc]  }
0x244: {  	s3 =	simm.s32 $0x2C00;
	p0 =	seq.s32 s28, $0x1F  }
.Ltmp10:
0x245: {  	s13 =	simm.s32 $0x1800;
	s26 =	rddreg [dreg:$0x1];
	(pc) =	sbr.rel @p0 .LBB2_20-.Ltmp10, $4  }
0x246: {  	s31 =	simm.s32 $0x11000;
	s30 =	simm.s32 $0x40000;
	s1 =	sadd.s32 s2, s26  }
0x247: {  	s14 =	simm.s32 $0x1C00;
	s16 =	simm.s32 $0x2800;
	s29 =	sadd.s32 $0x200, s1  }
0x248: {  	[hbm4b:s29+s24] =	stream.strided.scatter [tilespmem:s31], [sflag:$0x4], $0xC000, s30, s24, $0x38;
	[tilespmem:$0x1D000] =	vst v63  }
0x249: {  	s18 =	simm.s32 $0x1000;
	s22 =	simm.s32 $0x2000;
	s24 =	simm.s32 $0x2400  }
0x24a: {  	s0 =	rddreg [dreg:$0x9]  }
0x24b: {  	s1 =	rddreg [dreg:$0xd]  }
0x24c: {  	s31 =	rddreg [dreg:$0x3];
	s0 =	sadd.s32 s1, s0  }
0x24d: {  	s2 =	simm.s32 $0x10;
	s4 =	simm.s32 $0x3180;
	s0 =	sshrl.u32 s0, $0x3  }
0x24e: {  	s17 =	simm.s32 $0xC00;
	s21 =	simm.s32 $0x1400;
	s0 =	sadd.s32 s31, s0  }
0x24f: {  	s15 =	simm.s32 $0x0;
	s1 =	simm.s32 $0x3080;
	s5 =	sadd.s32 $0x0, s0  }
.LBB2_18:
0x250: {  	[tilespmem:s1], [sflag:$0x2] =	stream.linear.gather [hbm4b:s5+s15], $0x80, $0x38;
	[tilespmem:$0x1D000] =	vst v63  }
0x251: {  	s5 =	smov.u32 s2;
	s1 =	smov.u32 s4;
	p0 =	sne.s32 s2, $0x1F0  }
.Ltmp11:
0x252: {  	s2 =	sadd.s32 $0x10, s2;
	(pc) =	sbr.rel @p0 .LBB2_18-.Ltmp11, $2  }
0x253: {  	_ =	sdelay $0x2  }
0x254: {  	s4 =	sadd.s32 $0x100, s4;
	s5 =	sadd.s32 s5, s0  }
.Ltmp12:
0x255: {  	(pc) =	sbr.rel .LBB2_6-.Ltmp12, $3  }
0x256: {  	_ =	sdelay $0x1  }
0x257: {  	[tilespmem:s1], [sflag:$0x2] =	stream.linear.gather [hbm4b:s5+s15], $0x80, $0x38;
	[tilespmem:$0x1D000] =	vst v63  }
0x258: {  	s28 =	sadd.s32 $0x1, s28  }
.LBB2_21:
0x259: {  	_ =	sfence.sel $0x180000  }
0x25a: {  	[bflag:$0x0] =	sbarrier.arrive $0xFFFF  }
0x25b: {  	_ =	strace $0x90000047  }
0x25c: {  	s0 =	stileid.u32;
	[bflag:$0x2] =	sbarrier.arrive $0xFFFF  }
0x25d: {  	p0 =	sne.s32 s0, $0x0;
	s0 =	rddreg [dreg:$0x2]  }
0x25e: {  	s0 =	sadd.s32 @!p0 $0x100000, s0  }
0x25f: {  	[sflag:s0] =	ssyncadd.tile.s32 @!p0 $0x1;
	_ =	shalt  }
.Lfunc_end2:
_tile_overlayer_lowered:
.L_overlay_start_2:
0x260: {  	(tag) =	ssettag $0x2  }
0x261: {  	s0 =	rddreg [dreg:$0x0];
	s2 =	stileid.u32  }
0x262: {  	s1 =	rddreg [dreg:$0x1];
	p0 =	sne.s32 s2, $0x0  }
0x263: {  	s3 =	rddreg [dreg:$0x2];
	[bflag:$0x3] =	sbarrier.arrive $0xFFFF;
	s2 =	simm.s32 @!p0 $0x1C05  }
0x264: {  	[timem:s3], [sflag:s2] =	dma.local @!p0 [hbm:s0], s1  }
0x265: {  	s0 =	simm.s32 @!p0 $0x5  }
0x266: {  	_ =	swait.ge @!p0 [sflag:s0], s1  }
0x267: {  	s1 =	ssub.s32 @!p0 $0x0, s1;
	[sflag:s0] =	ssyncset.done @!p0 $0x0  }
0x268: {  	[sflag:s0] =	ssyncadd.s32 @!p0 s1  }
0x269: {  	[bflag:$0x3] =	sbarrier.arrive $0xFFFF  }
0x26a: {  	_ =	shalt  }

</sc_bundles>
